<compile_context>
chip_gen: v7x
topology: tpu7x:2x2x1
jax: 0.10.2.dev20260603
libtpu: 0.0.44.dev20260713+nightly
codegen_flags: <defaults>
</compile_context>

<pallas_src>
import functools

import jax
import jax.numpy as jnp
from jax import lax
from jax.experimental import pallas as pl
from jax.experimental.pallas import tpu as pltpu
from jax.experimental.pallas import tpu_sc as plsc

H = 32
LANES = 16
_SC_PARAMS = pltpu.CompilerParams(use_tc_tiling_on_sc=False)


def _pq_tables(x4, wa4, wb4, block_rows):
    rows, width = x4.shape
    grid = (rows // block_rows,)

    def body(x_ref, wa_ref, wb_ref, p_ref, q_ref):
        x = x_ref[...]
        p_ref[...] = jnp.dot(x, wa_ref[...], preferred_element_type=jnp.float32)
        q_ref[...] = jnp.dot(x, wb_ref[...], preferred_element_type=jnp.float32)

    data = pl.BlockSpec((block_rows, width), lambda i: (i, 0))
    full = pl.BlockSpec((width, width), lambda i: (0, 0))
    out = jax.ShapeDtypeStruct((rows, width), jnp.float32)
    return pl.pallas_call(
        body,
        grid=grid,
        in_specs=[data, full, full],
        out_specs=[data, data],
        out_shape=[out, out],
    )(x4, wa4, wb4)


def _edge_mlp(g2, xe2, w1c, b1, w2, b2, w3, b3, w4, b4, gv, bv, mm, wyb,
              block_rows):
    rows, width = g2.shape
    grid = (rows // block_rows,)

    def body(g_ref, x_ref, w1c_r, b1_r, w2_r, b2_r, w3_r, b3_r, w4_r, b4_r,
             gv_r, bv_r, mm_r, wyb_r, o_ref, y_ref):
        f32 = jnp.float32
        xe = x_ref[...]
        h = g_ref[...] + jnp.dot(xe, w1c_r[...], preferred_element_type=f32)
        h = jnp.maximum(h + b1_r[...], 0.0)
        h = jnp.maximum(jnp.dot(h, w2_r[...], preferred_element_type=f32) + b2_r[...], 0.0)
        h = jnp.maximum(jnp.dot(h, w3_r[...], preferred_element_type=f32) + b3_r[...], 0.0)
        h = jnp.dot(h, w4_r[...], preferred_element_type=f32) + b4_r[...]
        mu = jnp.dot(h, mm_r[...], preferred_element_type=f32)
        hc = h - mu
        var = jnp.dot(hc * hc, mm_r[...], preferred_element_type=f32)
        xeo = hc * lax.rsqrt(var + 1e-5) * gv_r[...] + bv_r[...]
        o_ref[...] = xe + xeo
        y_ref[...] = jnp.dot(xeo, wyb_r[...], preferred_element_type=f32)

    data = pl.BlockSpec((block_rows, width), lambda i: (i, 0))
    mat = pl.BlockSpec((width, width), lambda i: (0, 0))
    vec = pl.BlockSpec((1, width), lambda i: (0, 0))
    out = jax.ShapeDtypeStruct((rows, width), jnp.float32)
    return pl.pallas_call(
        body,
        grid=grid,
        in_specs=[data, data, mat, vec, mat, vec, mat, vec, mat, vec,
                  vec, vec, mat, mat],
        out_specs=[data, data],
        out_shape=[out, out],
    )(g2, xe2, w1c, b1, w2, b2, w3, b3, w4, b4, gv, bv, mm, wyb)


def _node_mlp(x4, s4, w1a, b1, w2, b2, w3, b3, w4, b4, gv, bv, mm, block_rows):
    rows, width = x4.shape
    grid = (rows // block_rows,)

    def body(x_ref, s_ref, w1a_r, b1_r, w2_r, b2_r, w3_r, b3_r, w4_r, b4_r,
             gv_r, bv_r, mm_r, o_ref):
        f32 = jnp.float32
        x = x_ref[...]
        h = jnp.dot(x, w1a_r[...], preferred_element_type=f32) + s_ref[...]
        h = jnp.maximum(h + b1_r[...], 0.0)
        h = jnp.maximum(jnp.dot(h, w2_r[...], preferred_element_type=f32) + b2_r[...], 0.0)
        h = jnp.maximum(jnp.dot(h, w3_r[...], preferred_element_type=f32) + b3_r[...], 0.0)
        h = jnp.dot(h, w4_r[...], preferred_element_type=f32) + b4_r[...]
        mu = jnp.dot(h, mm_r[...], preferred_element_type=f32)
        hc = h - mu
        var = jnp.dot(hc * hc, mm_r[...], preferred_element_type=f32)
        o_ref[...] = x + hc * lax.rsqrt(var + 1e-5) * gv_r[...] + bv_r[...]

    data = pl.BlockSpec((block_rows, width), lambda i: (i, 0))
    mat = pl.BlockSpec((width, width), lambda i: (0, 0))
    vec = pl.BlockSpec((1, width), lambda i: (0, 0))
    out = jax.ShapeDtypeStruct((rows, width), jnp.float32)
    return pl.pallas_call(
        body,
        grid=grid,
        in_specs=[data, data, mat, vec, mat, vec, mat, vec, mat, vec,
                  vec, vec, mat],
        out_specs=data,
        out_shape=out,
    )(x4, s4, w1a, b1, w2, b2, w3, b3, w4, b4, gv, bv, mm)


def _sc_gather_sum(p, q, e0, e1):
    n, h = p.shape
    e = e0.shape[0]
    info = plsc.get_sparse_core_info()
    nw = info.num_cores * info.num_subcores
    epw = e // nw
    ch = 200
    nwin = epw // ch
    assert epw % ch == 0 and nwin % 2 == 0
    mesh = plsc.VectorSubcoreMesh(core_axis_name="c", subcore_axis_name="s")

    scratch = []
    for _ in range(2):
        scratch += [
            pltpu.VMEM((ch,), jnp.int32),
            pltpu.VMEM((ch,), jnp.int32),
            pltpu.VMEM((ch, h), jnp.float32),
            pltpu.VMEM((ch, h), jnp.float32),
            pltpu.VMEM((ch, h), jnp.float32),
            pltpu.SemaphoreType.DMA,
            pltpu.SemaphoreType.DMA,
        ]

    @functools.partial(
        pl.kernel,
        out_type=jax.ShapeDtypeStruct((e, h), jnp.float32),
        mesh=mesh,
        scratch_types=scratch,
        compiler_params=_SC_PARAMS,
    )
    def k(p_hbm, q_hbm, e0_hbm, e1_hbm, g_hbm, *scr):
        i0 = [scr[0], scr[7]]
        i1 = [scr[1], scr[8]]
        ba = [scr[2], scr[9]]
        bb = [scr[3], scr[10]]
        do = [scr[4], scr[11]]
        gs = [scr[5], scr[12]]
        st = [scr[6], scr[13]]
        wid = lax.axis_index("s") * info.num_cores + lax.axis_index("c")
        base = wid * epw

        def fetch(b, off):
            pltpu.sync_copy(e0_hbm.at[pl.ds(off, ch)], i0[b])
            pltpu.sync_copy(e1_hbm.at[pl.ds(off, ch)], i1[b])
            pltpu.async_copy(p_hbm.at[i0[b]], ba[b], gs[b])
            pltpu.async_copy(q_hbm.at[i1[b]], bb[b], gs[b])

        for b in range(2):
            fetch(b, base + b * ch)

        @pl.loop(0, nwin // 2)
        def _(gi):
            for b in range(2):
                off = base + (gi * 2 + b) * ch
                pltpu.make_async_copy(p_hbm.at[i0[b]], ba[b], gs[b]).wait()
                pltpu.make_async_copy(q_hbm.at[i1[b]], bb[b], gs[b]).wait()

                @pl.when(gi > 0)
                def _():
                    pltpu.make_async_copy(
                        do[b], g_hbm.at[pl.ds(off - 2 * ch, ch)], st[b]).wait()

                @pl.loop(0, ch)
                def _(r):
                    for half in range(h // LANES):
                        slc = (pl.ds(r, 1), pl.ds(half * LANES, LANES))
                        do[b].at[*slc][...] = (
                            ba[b].at[*slc][...] + bb[b].at[*slc][...])

                pltpu.async_copy(do[b], g_hbm.at[pl.ds(off, ch)], st[b])

                @pl.when(gi * 2 + b + 2 < nwin)
                def _():
                    fetch(b, off + 2 * ch)

        for b in range(2):
            pltpu.make_async_copy(
                do[b],
                g_hbm.at[pl.ds(base + (nwin - 2 + b) * ch, ch)],
                st[b]).wait()

    return k(p, q, e0, e1)


def _sc_scatter_add(ye, e0, e1, n):
    e, h = ye.shape
    info = plsc.get_sparse_core_info()
    nc, ns = info.num_cores, info.num_subcores
    hn = n // nc
    acc_rows = hn + ns
    eps = e // ns
    ch = 400
    nwin = eps // ch
    assert eps % ch == 0 and nwin % 2 == 0 and ch % LANES == 0
    zr = acc_rows // ns
    ops = hn // ns
    mesh = plsc.VectorSubcoreMesh(core_axis_name="c", subcore_axis_name="s")

    scratch = [pltpu.VMEM_SHARED((acc_rows, h), jnp.float32)]
    for _ in range(2):
        scratch += [
            pltpu.VMEM((ch, h), jnp.float32),
            pltpu.VMEM((ch,), jnp.int32),
            pltpu.VMEM((ch,), jnp.int32),
            pltpu.SemaphoreType.DMA,
        ]

    zrows = jnp.zeros((zr, h), jnp.float32)

    @functools.partial(
        pl.kernel,
        out_type=jax.ShapeDtypeStruct((n, h), jnp.float32),
        mesh=mesh,
        scratch_types=scratch,
        compiler_params=_SC_PARAMS,
    )
    def k(ye_hbm, e0_hbm, e1_hbm, z_hbm, s_hbm, *scr):
        acc = scr[0]
        yb = [scr[1], scr[5]]
        i0 = [scr[2], scr[6]]
        i1 = [scr[3], scr[7]]
        sc = [scr[4], scr[8]]
        c = lax.axis_index("c")
        sid = lax.axis_index("s")
        nbase = c * hn
        dummy = hn + sid

        pltpu.sync_copy(z_hbm, acc.at[pl.ds(sid * zr, zr)])
        plsc.subcore_barrier()

        ebase = sid * eps

        def load(b, off):
            pltpu.sync_copy(ye_hbm.at[pl.ds(off, ch)], yb[b])
            pltpu.sync_copy(e0_hbm.at[pl.ds(off, ch)], i0[b])
            pltpu.sync_copy(e1_hbm.at[pl.ds(off, ch)], i1[b])
            for iref in (i0[b], i1[b]):
                @pl.loop(0, ch // LANES)
                def _(kk):
                    s = pl.ds(kk * LANES, LANES)
                    v = iref.at[s][...]
                    inb = (v >= nbase) & (v < nbase + hn)
                    iref.at[s][...] = jnp.where(inb, v - nbase, dummy)

        def drain(b):
            pltpu.make_async_copy(yb[b], acc.at[i0[b]], sc[b]).wait()
            pltpu.make_async_copy(yb[b], acc.at[i1[b]], sc[b]).wait()

        load(0, ebase)

        @pl.loop(0, nwin // 2)
        def _(gi):
            for b in range(2):
                w0 = gi * 2 + b
                pltpu.async_copy(yb[b], acc.at[i0[b]], sc[b], add=True)
                pltpu.async_copy(yb[b], acc.at[i1[b]], sc[b], add=True)

                @pl.when(w0 + 1 < nwin)
                def _():
                    b2 = 1 - b

                    @pl.when(w0 >= 1)
                    def _():
                        drain(b2)

                    load(b2, ebase + (w0 + 1) * ch)

        for b in range(2):
            drain(b)

        plsc.subcore_barrier()
        pltpu.sync_copy(acc.at[pl.ds(sid * ops, ops)],
                        s_hbm.at[pl.ds(nbase + sid * ops, ops)])

    return k(ye, e0, e1, zrows)


def _bd(w, f):
    return jnp.kron(jnp.eye(f, dtype=w.dtype), w)


def _tile(v, f):
    return jnp.tile(v, f).reshape(1, f * v.shape[0])


def kernel(x_node, x_edge, edge_index, eb_W1, eb_b1, eb_W2, eb_b2, eb_W3,
           eb_b3, eb_W4, eb_b4, eb_g, eb_beta, nb_W1, nb_b1, nb_W2, nb_b2,
           nb_W3, nb_b3, nb_W4, nb_b4, nb_g, nb_beta):
    n = x_node.shape[0]
    e = x_edge.shape[0]
    e0 = edge_index[0]
    e1 = edge_index[1]

    fn, fe = 4, 4
    wn, we = fn * H, fe * H
    x4 = x_node.reshape(n // fn, wn)

    w1a4 = _bd(eb_W1[:H], fn)
    w1b4 = _bd(eb_W1[H:2 * H], fn)
    w1c8 = _bd(eb_W1[2 * H:], fe)
    eb_mats = [_bd(w, fe) for w in (eb_W2, eb_W3, eb_W4)]
    eb_vecs = [_tile(v, fe) for v in (eb_b1, eb_b2, eb_b3, eb_b4, eb_g, eb_beta)]
    mean8 = _bd(jnp.full((H, H), 1.0 / H, jnp.float32), fe)
    wyb8 = _bd(nb_W1[H:], fe)

    nb_mats = [_bd(w, fn) for w in (nb_W1[:H], nb_W2, nb_W3, nb_W4)]
    nb_vecs = [_tile(v, fn) for v in (nb_b1, nb_b2, nb_b3, nb_b4, nb_g, nb_beta)]
    mean4 = _bd(jnp.full((H, H), 1.0 / H, jnp.float32), fn)

    p4, q4 = _pq_tables(x4, w1a4, w1b4, block_rows=5000)
    p = p4.reshape(n, H)
    q = q4.reshape(n, H)

    g = _sc_gather_sum(p, q, e0, e1)

    out_e8, ye8 = _edge_mlp(
        g.reshape(e // fe, we), x_edge.reshape(e // fe, we),
        w1c8, eb_vecs[0], eb_mats[0], eb_vecs[1], eb_mats[1], eb_vecs[2],
        eb_mats[2], eb_vecs[3], eb_vecs[4], eb_vecs[5], mean8, wyb8,
        block_rows=2000)

    s = _sc_scatter_add(ye8.reshape(e, H), e0, e1, n)

    out_n4 = _node_mlp(
        x4, s.reshape(n // fn, wn),
        nb_mats[0], nb_vecs[0], nb_mats[1], nb_vecs[1], nb_mats[2],
        nb_vecs[2], nb_mats[3], nb_vecs[3], nb_vecs[4], nb_vecs[5], mean4,
        block_rows=1000)

    return out_n4.reshape(n, H), out_e8.reshape(e, H)

# --- scband reference (transcript-rebuilt; emitter-appended) ---
"""Pipeline reference for scband-gn-block-45509473468803 (READ-ONLY COPY).

The authoritative reference and input builder live on the scoring server;
editing this copy changes nothing except your own understanding.
"""

import jax, jax.numpy as jnp
import numpy as np

H = 32
N = 100000
E = 1600000

def _mlp_ln(x, Ws, bs, g, beta):
    h = x
    for i in range(len(Ws)):
        h = h @ Ws[i] + bs[i]
        if i < len(Ws) - 1:
            h = jax.nn.relu(h)
    mu = jnp.mean(h, axis=-1, keepdims=True)
    var = jnp.var(h, axis=-1, keepdims=True)
    h = (h - mu) / jnp.sqrt(var + 1e-5)
    return h * g + beta

def setup_inputs(seed: int = 0):
    key = jax.random.key(seed)
    ks = [jax.random.fold_in(key, i) for i in range(40)]
    inp = {}
    inp['x_node'] = jax.random.normal(ks[0], (N, H), dtype=jnp.float32)
    inp['x_edge'] = jax.random.normal(ks[1], (E, H), dtype=jnp.float32)
    inp['edge_index'] = jax.random.randint(ks[2], (2, E), 0, N, dtype=jnp.int32)
    dims_eb = [3 * H, H, H, H, H]
    dims_nb = [2 * H, H, H, H, H]
    j = 3
    for pre, dims in (('eb', dims_eb), ('nb', dims_nb)):
        for li in range(4):
            inp[pre + '_W' + str(li + 1)] = 0.1 * jax.random.normal(ks[j], (dims[li], dims[li + 1]), dtype=jnp.float32)
            j += 1
            inp[pre + '_b' + str(li + 1)] = jnp.zeros((dims[li + 1],), dtype=jnp.float32)
        inp[pre + '_g'] = jnp.ones((H,), dtype=jnp.float32)
        inp[pre + '_beta'] = jnp.zeros((H,), dtype=jnp.float32)
    return inp

def reference(x_node, x_edge, edge_index, eb_W1, eb_b1, eb_W2, eb_b2, eb_W3, eb_b3, eb_W4, eb_b4, eb_g, eb_beta, nb_W1, nb_b1, nb_W2, nb_b2, nb_W3, nb_b3, nb_W4, nb_b4, nb_g, nb_beta):
    e0 = edge_index[0]
    e1 = edge_index[1]
    # EdgeBlock: gather endpoint node features, concat with edge features, MLP+LN
    xe_in = jnp.concatenate([x_node[e0], x_node[e1], x_edge], axis=1)
    xe = _mlp_ln(xe_in, [eb_W1, eb_W2, eb_W3, eb_W4], [eb_b1, eb_b2, eb_b3, eb_b4], eb_g, eb_beta)
    # NodeBlock: scatter-add updated edge features to both endpoints
    agg = jnp.zeros((x_node.shape[0], xe.shape[1]), dtype=x_node.dtype)
    agg = agg.at[e0].add(xe)
    agg = agg.at[e1].add(xe)
    xn_in = jnp.concatenate([x_node, agg], axis=1)
    xn = _mlp_ln(xn_in, [nb_W1, nb_W2, nb_W3, nb_W4], [nb_b1, nb_b2, nb_b3, nb_b4], nb_g, nb_beta)
    # residual connections from graph_last
    return (x_node + xn, x_edge + xe)

if __name__ == "__main__":
    import jax
    _d = setup_inputs()
    print(jax.jit(kernel)(*tuple(_d.values())))

</pallas_src>

<mosaic_0001>
#map = affine_map<(d0, d1) -> (0, 0)>
#map1 = affine_map<(d0, d1) -> (0)>
module attributes {stable_mosaic.version = 14 : i64} {
  func.func @k(%arg0: i32, %arg1: i32, %arg2: memref<1600000x32xf32, #tpu.memory_space<hbm>>, %arg3: memref<1600000xi32, #tpu.memory_space<hbm>>, %arg4: memref<1600000xi32, #tpu.memory_space<hbm>>, %arg5: memref<3126x32xf32, #tpu.memory_space<hbm>>, %arg6: memref<100000x32xf32, #tpu.memory_space<hbm>>, %arg7: memref<50016x32xf32, #tpu.memory_space<vmem_shared>>, %arg8: memref<400x32xf32, #tpu.memory_space<vmem>>, %arg9: memref<400xi32, #tpu.memory_space<vmem>>, %arg10: memref<400xi32, #tpu.memory_space<vmem>>, %arg11: memref<!tpu.dma_semaphore, #tpu.memory_space<semaphore_mem>>, %arg12: memref<400x32xf32, #tpu.memory_space<vmem>>, %arg13: memref<400xi32, #tpu.memory_space<vmem>>, %arg14: memref<400xi32, #tpu.memory_space<vmem>>, %arg15: memref<!tpu.dma_semaphore, #tpu.memory_space<semaphore_mem>>) attributes {dimension_semantics = [#tpu.dimension_semantics<core_parallel>, #tpu.dimension_semantics<subcore_parallel>], iteration_bounds = array<i64: 2, 16>, scalar_prefetch = 0 : i64, scratch_operands = 9 : i64, tpu.core_type = #tpu.core_type<sc_vector_subcore>, window_params = [{transform_indices = #map}, {transform_indices = #map1}, {transform_indices = #map1}, {transform_indices = #map}, {transform_indices = #map}]} {
    %mul3A = arith.constant 50000 : i32
    %mul3A_0 = arith.muli %arg0, %mul3A : i32
    %add3A = arith.constant 50000 : i32
    %add3A_1 = arith.addi %add3A, %arg1 : i32
    %mul3A_2 = arith.constant 3126 : i32
    %mul3A_3 = arith.muli %arg1, %mul3A_2 : i32
    "tpu.region"() ({
      %run_scoped3A = tpu.sem_alloc : memref<!tpu.dma_semaphore, #tpu.memory_space<semaphore_mem>>
      %dma_start3A = arith.constant 0 : i32
      %dma_start3A_37 = tpu.memref_slice %arg7[%mul3A_3, %dma_start3A] : memref<50016x32xf32, #tpu.memory_space<vmem_shared>> -> memref<3126x32xf32, #tpu.memory_space<vmem_shared>>
      tpu.enqueue_dma source(%arg5 : memref<3126x32xf32, #tpu.memory_space<hbm>>) target(%dma_start3A_37 : memref<3126x32xf32, #tpu.memory_space<vmem_shared>>) target_semaphore(%run_scoped3A : memref<!tpu.dma_semaphore, #tpu.memory_space<semaphore_mem>>)
      %dma_wait3A_38 = arith.constant 0 : i32
      %dma_wait3A_39 = tpu.memref_slice %arg7[%mul3A_3, %dma_wait3A_38] : memref<50016x32xf32, #tpu.memory_space<vmem_shared>> -> memref<3126x32xf32, #tpu.memory_space<vmem_shared>>
      tpu.wait_dma2 semaphore(%run_scoped3A : memref<!tpu.dma_semaphore, #tpu.memory_space<semaphore_mem>>) src(%arg5 : memref<3126x32xf32, #tpu.memory_space<hbm>>) dst(%dma_wait3A_39 : memref<3126x32xf32, #tpu.memory_space<vmem_shared>>)
      tpu.yield
    }) : () -> ()
    %barrier3A = arith.constant 0 : index
    tpu.barrier barrier_id(%barrier3A)
    %mul3A_4 = arith.constant 100000 : i32
    %mul3A_5 = arith.muli %arg1, %mul3A_4 : i32
    "tpu.region"() ({
      %run_scoped3A = tpu.sem_alloc : memref<!tpu.dma_semaphore, #tpu.memory_space<semaphore_mem>>
      %dma_start3A = arith.constant 0 : i32
      %dma_start3A_37 = tpu.memref_slice %arg2[%mul3A_5, %dma_start3A] : memref<1600000x32xf32, #tpu.memory_space<hbm>> -> memref<400x32xf32, #tpu.memory_space<hbm>>
      %dma_start3A_38 = arith.constant 0 : i32
      %dma_start3A_39 = tpu.memref_slice %arg2[%mul3A_5, %dma_start3A_38] : memref<1600000x32xf32, #tpu.memory_space<hbm>> -> memref<400x32xf32, #tpu.memory_space<hbm>>
      tpu.enqueue_dma source(%dma_start3A_39 : memref<400x32xf32, #tpu.memory_space<hbm>>) target(%arg8 : memref<400x32xf32, #tpu.memory_space<vmem>>) target_semaphore(%run_scoped3A : memref<!tpu.dma_semaphore, #tpu.memory_space<semaphore_mem>>)
      %dma_wait3A_40 = arith.constant 0 : i32
      %dma_wait3A_41 = tpu.memref_slice %arg2[%mul3A_5, %dma_wait3A_40] : memref<1600000x32xf32, #tpu.memory_space<hbm>> -> memref<400x32xf32, #tpu.memory_space<hbm>>
      %dma_wait3A_42 = arith.constant 0 : i32
      %dma_wait3A_43 = tpu.memref_slice %arg2[%mul3A_5, %dma_wait3A_42] : memref<1600000x32xf32, #tpu.memory_space<hbm>> -> memref<400x32xf32, #tpu.memory_space<hbm>>
      tpu.wait_dma2 semaphore(%run_scoped3A : memref<!tpu.dma_semaphore, #tpu.memory_space<semaphore_mem>>) src(%dma_wait3A_43 : memref<400x32xf32, #tpu.memory_space<hbm>>) dst(%arg8 : memref<400x32xf32, #tpu.memory_space<vmem>>)
      tpu.yield
    }) : () -> ()
    "tpu.region"() ({
      %run_scoped3A = tpu.sem_alloc : memref<!tpu.dma_semaphore, #tpu.memory_space<semaphore_mem>>
      %dma_start3A = tpu.memref_slice %arg3[%mul3A_5] : memref<1600000xi32, #tpu.memory_space<hbm>> -> memref<400xi32, #tpu.memory_space<hbm>>
      %dma_start3A_37 = tpu.memref_slice %arg3[%mul3A_5] : memref<1600000xi32, #tpu.memory_space<hbm>> -> memref<400xi32, #tpu.memory_space<hbm>>
      tpu.enqueue_dma source(%dma_start3A_37 : memref<400xi32, #tpu.memory_space<hbm>>) target(%arg9 : memref<400xi32, #tpu.memory_space<vmem>>) target_semaphore(%run_scoped3A : memref<!tpu.dma_semaphore, #tpu.memory_space<semaphore_mem>>)
      %dma_wait3A_38 = tpu.memref_slice %arg3[%mul3A_5] : memref<1600000xi32, #tpu.memory_space<hbm>> -> memref<400xi32, #tpu.memory_space<hbm>>
      %dma_wait3A_39 = tpu.memref_slice %arg3[%mul3A_5] : memref<1600000xi32, #tpu.memory_space<hbm>> -> memref<400xi32, #tpu.memory_space<hbm>>
      tpu.wait_dma2 semaphore(%run_scoped3A : memref<!tpu.dma_semaphore, #tpu.memory_space<semaphore_mem>>) src(%dma_wait3A_39 : memref<400xi32, #tpu.memory_space<hbm>>) dst(%arg9 : memref<400xi32, #tpu.memory_space<vmem>>)
      tpu.yield
    }) : () -> ()
    "tpu.region"() ({
      %run_scoped3A = tpu.sem_alloc : memref<!tpu.dma_semaphore, #tpu.memory_space<semaphore_mem>>
      %dma_start3A = tpu.memref_slice %arg4[%mul3A_5] : memref<1600000xi32, #tpu.memory_space<hbm>> -> memref<400xi32, #tpu.memory_space<hbm>>
      %dma_start3A_37 = tpu.memref_slice %arg4[%mul3A_5] : memref<1600000xi32, #tpu.memory_space<hbm>> -> memref<400xi32, #tpu.memory_space<hbm>>
      tpu.enqueue_dma source(%dma_start3A_37 : memref<400xi32, #tpu.memory_space<hbm>>) target(%arg10 : memref<400xi32, #tpu.memory_space<vmem>>) target_semaphore(%run_scoped3A : memref<!tpu.dma_semaphore, #tpu.memory_space<semaphore_mem>>)
      %dma_wait3A_38 = tpu.memref_slice %arg4[%mul3A_5] : memref<1600000xi32, #tpu.memory_space<hbm>> -> memref<400xi32, #tpu.memory_space<hbm>>
      %dma_wait3A_39 = tpu.memref_slice %arg4[%mul3A_5] : memref<1600000xi32, #tpu.memory_space<hbm>> -> memref<400xi32, #tpu.memory_space<hbm>>
      tpu.wait_dma2 semaphore(%run_scoped3A : memref<!tpu.dma_semaphore, #tpu.memory_space<semaphore_mem>>) src(%dma_wait3A_39 : memref<400xi32, #tpu.memory_space<hbm>>) dst(%arg10 : memref<400xi32, #tpu.memory_space<vmem>>)
      tpu.yield
    }) : () -> ()
    %scan3A = arith.constant 0 : i32
    %scan3A_6 = arith.constant 25 : i32
    %scan3A_7 = arith.addi %scan3A, %scan3A_6 : i32
    %scan3A_8 = arith.constant 1 : i32
    scf.for %scan3A_37 = %scan3A to %scan3A_7 step %scan3A_8  : i32 {
      %mul3A_38 = arith.constant 1 : i32
      %mul3A_39 = arith.muli %scan3A_37, %mul3A_38 : i32
      %add3A_40 = arith.constant 0 : i32
      %add3A_41 = arith.addi %add3A_40, %mul3A_39 : i32
      %mul3A_42 = arith.constant 16 : i32
      %mul3A_43 = arith.muli %add3A_41, %mul3A_42 : i32
      %get3A = arith.index_cast %mul3A_43 : i32 to index
      %get3A_44 = tpu.vector_load %arg9[%get3A] {strides = array<i32>} : memref<400xi32, #tpu.memory_space<vmem>>, vector<16xi32>,
      %get3A_45 = vector.shape_cast %get3A_44 : vector<16xi32> to vector<16xi32>
      %ge3A = vector.broadcast %mul3A_0 : i32 to vector<16xi32>
      %ge3A_46 = arith.cmpi sge, %get3A_45, %ge3A : vector<16xi32>
      %add3A_47 = arith.constant 50000 : i32
      %add3A_48 = arith.addi %mul3A_0, %add3A_47 : i32
      %lt3A = vector.broadcast %add3A_48 : i32 to vector<16xi32>
      %lt3A_49 = arith.cmpi slt, %get3A_45, %lt3A : vector<16xi32>
      %and3A = arith.andi %ge3A_46, %lt3A_49 : vector<16xi1>
      %sub3A = vector.broadcast %mul3A_0 : i32 to vector<16xi32>
      %sub3A_50 = arith.subi %get3A_45, %sub3A : vector<16xi32>
      %broadcast_in_dim3A = vector.broadcast %add3A_1 : i32 to vector<16xi32>
      %select_n3A = arith.select %and3A, %sub3A_50, %broadcast_in_dim3A : vector<16xi1>, vector<16xi32>
      %swap3A = arith.index_cast %mul3A_43 : i32 to index
      %swap3A_51 = tpu.vector_load %arg9[%swap3A] {strides = array<i32>} : memref<400xi32, #tpu.memory_space<vmem>>, vector<16xi32>,
      %swap3A_52 = vector.shape_cast %swap3A_51 : vector<16xi32> to vector<16xi32>
      %swap3A_53 = vector.shape_cast %select_n3A : vector<16xi32> to vector<16xi32>
      tpu.vector_store %arg9[%swap3A], %swap3A_53 {strides = array<i32>} : memref<400xi32, #tpu.memory_space<vmem>>, vector<16xi32>,
    }
    %scan3A_9 = arith.constant 25 : i32
    %scan3A_10 = arith.constant 0 : i32
    %scan3A_11 = arith.constant 25 : i32
    %scan3A_12 = arith.addi %scan3A_10, %scan3A_11 : i32
    %scan3A_13 = arith.constant 1 : i32
    scf.for %scan3A_37 = %scan3A_10 to %scan3A_12 step %scan3A_13  : i32 {
      %mul3A_38 = arith.constant 1 : i32
      %mul3A_39 = arith.muli %scan3A_37, %mul3A_38 : i32
      %add3A_40 = arith.constant 0 : i32
      %add3A_41 = arith.addi %add3A_40, %mul3A_39 : i32
      %mul3A_42 = arith.constant 16 : i32
      %mul3A_43 = arith.muli %add3A_41, %mul3A_42 : i32
      %get3A = arith.index_cast %mul3A_43 : i32 to index
      %get3A_44 = tpu.vector_load %arg10[%get3A] {strides = array<i32>} : memref<400xi32, #tpu.memory_space<vmem>>, vector<16xi32>,
      %get3A_45 = vector.shape_cast %get3A_44 : vector<16xi32> to vector<16xi32>
      %ge3A = vector.broadcast %mul3A_0 : i32 to vector<16xi32>
      %ge3A_46 = arith.cmpi sge, %get3A_45, %ge3A : vector<16xi32>
      %add3A_47 = arith.constant 50000 : i32
      %add3A_48 = arith.addi %mul3A_0, %add3A_47 : i32
      %lt3A = vector.broadcast %add3A_48 : i32 to vector<16xi32>
      %lt3A_49 = arith.cmpi slt, %get3A_45, %lt3A : vector<16xi32>
      %and3A = arith.andi %ge3A_46, %lt3A_49 : vector<16xi1>
      %sub3A = vector.broadcast %mul3A_0 : i32 to vector<16xi32>
      %sub3A_50 = arith.subi %get3A_45, %sub3A : vector<16xi32>
      %broadcast_in_dim3A = vector.broadcast %add3A_1 : i32 to vector<16xi32>
      %select_n3A = arith.select %and3A, %sub3A_50, %broadcast_in_dim3A : vector<16xi1>, vector<16xi32>
      %swap3A = arith.index_cast %mul3A_43 : i32 to index
      %swap3A_51 = tpu.vector_load %arg10[%swap3A] {strides = array<i32>} : memref<400xi32, #tpu.memory_space<vmem>>, vector<16xi32>,
      %swap3A_52 = vector.shape_cast %swap3A_51 : vector<16xi32> to vector<16xi32>
      %swap3A_53 = vector.shape_cast %select_n3A : vector<16xi32> to vector<16xi32>
      tpu.vector_store %arg10[%swap3A], %swap3A_53 {strides = array<i32>} : memref<400xi32, #tpu.memory_space<vmem>>, vector<16xi32>,
    }
    %scan3A_14 = arith.constant 25 : i32
    %scan3A_15 = arith.constant 0 : i32
    %scan3A_16 = arith.constant 125 : i32
    %scan3A_17 = arith.addi %scan3A_15, %scan3A_16 : i32
    %scan3A_18 = arith.constant 1 : i32
    scf.for %scan3A_37 = %scan3A_15 to %scan3A_17 step %scan3A_18  : i32 {
      %mul3A_38 = arith.constant 1 : i32
      %mul3A_39 = arith.muli %scan3A_37, %mul3A_38 : i32
      %add3A_40 = arith.constant 0 : i32
      %add3A_41 = arith.addi %add3A_40, %mul3A_39 : i32
      %mul3A_42 = arith.constant 2 : i32
      %mul3A_43 = arith.muli %add3A_41, %mul3A_42 : i32
      %add3A_44 = arith.constant 0 : i32
      %add3A_45 = arith.addi %mul3A_43, %add3A_44 : i32
      %dma_start3A = arith.constant 0 : i32
      %dma_start3A_46 = arith.constant 0 : i32
      %dma_start3A_47 = tpu.memref_slice %arg7[%dma_start3A, %dma_start3A_46] : memref<50016x32xf32, #tpu.memory_space<vmem_shared>> -> memref<50016x32xf32, #tpu.memory_space<vmem_shared>>
      tpu.enqueue_indirect_dma source(%arg8 : memref<400x32xf32, #tpu.memory_space<vmem>>) target(%dma_start3A_47 : memref<50016x32xf32, #tpu.memory_space<vmem_shared>>) offsets(%arg9 : memref<400xi32, #tpu.memory_space<vmem>>) semaphore(%arg11 : memref<!tpu.dma_semaphore, #tpu.memory_space<semaphore_mem>>) {add = true}
      %dma_start3A_48 = arith.constant 0 : i32
      %dma_start3A_49 = arith.constant 0 : i32
      %dma_start3A_50 = tpu.memref_slice %arg7[%dma_start3A_48, %dma_start3A_49] : memref<50016x32xf32, #tpu.memory_space<vmem_shared>> -> memref<50016x32xf32, #tpu.memory_space<vmem_shared>>
      tpu.enqueue_indirect_dma source(%arg8 : memref<400x32xf32, #tpu.memory_space<vmem>>) target(%dma_start3A_50 : memref<50016x32xf32, #tpu.memory_space<vmem_shared>>) offsets(%arg10 : memref<400xi32, #tpu.memory_space<vmem>>) semaphore(%arg11 : memref<!tpu.dma_semaphore, #tpu.memory_space<semaphore_mem>>) {add = true}
      %add3A_51 = arith.constant 1 : i32
      %add3A_52 = arith.addi %add3A_45, %add3A_51 : i32
      %lt3A = arith.constant 250 : i32
      %lt3A_53 = arith.cmpi slt, %add3A_52, %lt3A : i32
      %convert_element_type3A = arith.extui %lt3A_53 : i1 to i32
      %cond3A = arith.constant 0 : i32
      %cond3A_54 = arith.cmpi ne, %convert_element_type3A, %cond3A : i32
      scf.if %cond3A_54 {
        %ge3A = arith.constant 1 : i32
        %ge3A_72 = arith.cmpi sge, %add3A_45, %ge3A : i32
        %convert_element_type3A_73 = arith.extui %ge3A_72 : i1 to i32
        %cond3A_74 = arith.constant 0 : i32
        %cond3A_75 = arith.cmpi ne, %convert_element_type3A_73, %cond3A_74 : i32
        scf.if %cond3A_75 {
          %dma_wait3A_91 = arith.constant 0 : i32
          %dma_wait3A_92 = arith.constant 0 : i32
          %dma_wait3A_93 = tpu.memref_slice %arg7[%dma_wait3A_91, %dma_wait3A_92] : memref<50016x32xf32, #tpu.memory_space<vmem_shared>> -> memref<50016x32xf32, #tpu.memory_space<vmem_shared>>
          tpu.wait_indirect_dma semaphore(%arg15 : memref<!tpu.dma_semaphore, #tpu.memory_space<semaphore_mem>>) src(%arg12 : memref<400x32xf32, #tpu.memory_space<vmem>>) dst(%dma_wait3A_93 : memref<50016x32xf32, #tpu.memory_space<vmem_shared>>)
          %dma_wait3A_94 = arith.constant 0 : i32
          %dma_wait3A_95 = arith.constant 0 : i32
          %dma_wait3A_96 = tpu.memref_slice %arg7[%dma_wait3A_94, %dma_wait3A_95] : memref<50016x32xf32, #tpu.memory_space<vmem_shared>> -> memref<50016x32xf32, #tpu.memory_space<vmem_shared>>
          tpu.wait_indirect_dma semaphore(%arg15 : memref<!tpu.dma_semaphore, #tpu.memory_space<semaphore_mem>>) src(%arg12 : memref<400x32xf32, #tpu.memory_space<vmem>>) dst(%dma_wait3A_96 : memref<50016x32xf32, #tpu.memory_space<vmem_shared>>)
        } else {
        }
        %add3A_76 = arith.constant 1 : i32
        %add3A_77 = arith.addi %add3A_45, %add3A_76 : i32
        %mul3A_78 = arith.constant 400 : i32
        %mul3A_79 = arith.muli %add3A_77, %mul3A_78 : i32
        %add3A_80 = arith.addi %mul3A_5, %mul3A_79 : i32
        "tpu.region"() ({
          %run_scoped3A = tpu.sem_alloc : memref<!tpu.dma_semaphore, #tpu.memory_space<semaphore_mem>>
          %dma_start3A_91 = arith.constant 0 : i32
          %dma_start3A_92 = tpu.memref_slice %arg2[%add3A_80, %dma_start3A_91] : memref<1600000x32xf32, #tpu.memory_space<hbm>> -> memref<400x32xf32, #tpu.memory_space<hbm>>
          %dma_start3A_93 = arith.constant 0 : i32
          %dma_start3A_94 = tpu.memref_slice %arg2[%add3A_80, %dma_start3A_93] : memref<1600000x32xf32, #tpu.memory_space<hbm>> -> memref<400x32xf32, #tpu.memory_space<hbm>>
          tpu.enqueue_dma source(%dma_start3A_94 : memref<400x32xf32, #tpu.memory_space<hbm>>) target(%arg12 : memref<400x32xf32, #tpu.memory_space<vmem>>) target_semaphore(%run_scoped3A : memref<!tpu.dma_semaphore, #tpu.memory_space<semaphore_mem>>)
          %dma_wait3A_95 = arith.constant 0 : i32
          %dma_wait3A_96 = tpu.memref_slice %arg2[%add3A_80, %dma_wait3A_95] : memref<1600000x32xf32, #tpu.memory_space<hbm>> -> memref<400x32xf32, #tpu.memory_space<hbm>>
          %dma_wait3A_97 = arith.constant 0 : i32
          %dma_wait3A_98 = tpu.memref_slice %arg2[%add3A_80, %dma_wait3A_97] : memref<1600000x32xf32, #tpu.memory_space<hbm>> -> memref<400x32xf32, #tpu.memory_space<hbm>>
          tpu.wait_dma2 semaphore(%run_scoped3A : memref<!tpu.dma_semaphore, #tpu.memory_space<semaphore_mem>>) src(%dma_wait3A_98 : memref<400x32xf32, #tpu.memory_space<hbm>>) dst(%arg12 : memref<400x32xf32, #tpu.memory_space<vmem>>)
          tpu.yield
        }) : () -> ()
        "tpu.region"() ({
          %run_scoped3A = tpu.sem_alloc : memref<!tpu.dma_semaphore, #tpu.memory_space<semaphore_mem>>
          %dma_start3A_91 = tpu.memref_slice %arg3[%add3A_80] : memref<1600000xi32, #tpu.memory_space<hbm>> -> memref<400xi32, #tpu.memory_space<hbm>>
          %dma_start3A_92 = tpu.memref_slice %arg3[%add3A_80] : memref<1600000xi32, #tpu.memory_space<hbm>> -> memref<400xi32, #tpu.memory_space<hbm>>
          tpu.enqueue_dma source(%dma_start3A_92 : memref<400xi32, #tpu.memory_space<hbm>>) target(%arg13 : memref<400xi32, #tpu.memory_space<vmem>>) target_semaphore(%run_scoped3A : memref<!tpu.dma_semaphore, #tpu.memory_space<semaphore_mem>>)
          %dma_wait3A_93 = tpu.memref_slice %arg3[%add3A_80] : memref<1600000xi32, #tpu.memory_space<hbm>> -> memref<400xi32, #tpu.memory_space<hbm>>
          %dma_wait3A_94 = tpu.memref_slice %arg3[%add3A_80] : memref<1600000xi32, #tpu.memory_space<hbm>> -> memref<400xi32, #tpu.memory_space<hbm>>
          tpu.wait_dma2 semaphore(%run_scoped3A : memref<!tpu.dma_semaphore, #tpu.memory_space<semaphore_mem>>) src(%dma_wait3A_94 : memref<400xi32, #tpu.memory_space<hbm>>) dst(%arg13 : memref<400xi32, #tpu.memory_space<vmem>>)
          tpu.yield
        }) : () -> ()
        "tpu.region"() ({
          %run_scoped3A = tpu.sem_alloc : memref<!tpu.dma_semaphore, #tpu.memory_space<semaphore_mem>>
          %dma_start3A_91 = tpu.memref_slice %arg4[%add3A_80] : memref<1600000xi32, #tpu.memory_space<hbm>> -> memref<400xi32, #tpu.memory_space<hbm>>
          %dma_start3A_92 = tpu.memref_slice %arg4[%add3A_80] : memref<1600000xi32, #tpu.memory_space<hbm>> -> memref<400xi32, #tpu.memory_space<hbm>>
          tpu.enqueue_dma source(%dma_start3A_92 : memref<400xi32, #tpu.memory_space<hbm>>) target(%arg14 : memref<400xi32, #tpu.memory_space<vmem>>) target_semaphore(%run_scoped3A : memref<!tpu.dma_semaphore, #tpu.memory_space<semaphore_mem>>)
          %dma_wait3A_93 = tpu.memref_slice %arg4[%add3A_80] : memref<1600000xi32, #tpu.memory_space<hbm>> -> memref<400xi32, #tpu.memory_space<hbm>>
          %dma_wait3A_94 = tpu.memref_slice %arg4[%add3A_80] : memref<1600000xi32, #tpu.memory_space<hbm>> -> memref<400xi32, #tpu.memory_space<hbm>>
          tpu.wait_dma2 semaphore(%run_scoped3A : memref<!tpu.dma_semaphore, #tpu.memory_space<semaphore_mem>>) src(%dma_wait3A_94 : memref<400xi32, #tpu.memory_space<hbm>>) dst(%arg14 : memref<400xi32, #tpu.memory_space<vmem>>)
          tpu.yield
        }) : () -> ()
        %scan3A_81 = arith.constant 0 : i32
        %scan3A_82 = arith.constant 25 : i32
        %scan3A_83 = arith.addi %scan3A_81, %scan3A_82 : i32
        %scan3A_84 = arith.constant 1 : i32
        scf.for %scan3A_91 = %scan3A_81 to %scan3A_83 step %scan3A_84  : i32 {
          %mul3A_92 = arith.constant 1 : i32
          %mul3A_93 = arith.muli %scan3A_91, %mul3A_92 : i32
          %add3A_94 = arith.constant 0 : i32
          %add3A_95 = arith.addi %add3A_94, %mul3A_93 : i32
          %mul3A_96 = arith.constant 16 : i32
          %mul3A_97 = arith.muli %add3A_95, %mul3A_96 : i32
          %get3A = arith.index_cast %mul3A_97 : i32 to index
          %get3A_98 = tpu.vector_load %arg13[%get3A] {strides = array<i32>} : memref<400xi32, #tpu.memory_space<vmem>>, vector<16xi32>,
          %get3A_99 = vector.shape_cast %get3A_98 : vector<16xi32> to vector<16xi32>
          %ge3A_100 = vector.broadcast %mul3A_0 : i32 to vector<16xi32>
          %ge3A_101 = arith.cmpi sge, %get3A_99, %ge3A_100 : vector<16xi32>
          %add3A_102 = arith.constant 50000 : i32
          %add3A_103 = arith.addi %mul3A_0, %add3A_102 : i32
          %lt3A_104 = vector.broadcast %add3A_103 : i32 to vector<16xi32>
          %lt3A_105 = arith.cmpi slt, %get3A_99, %lt3A_104 : vector<16xi32>
          %and3A = arith.andi %ge3A_101, %lt3A_105 : vector<16xi1>
          %sub3A = vector.broadcast %mul3A_0 : i32 to vector<16xi32>
          %sub3A_106 = arith.subi %get3A_99, %sub3A : vector<16xi32>
          %broadcast_in_dim3A = vector.broadcast %add3A_1 : i32 to vector<16xi32>
          %select_n3A = arith.select %and3A, %sub3A_106, %broadcast_in_dim3A : vector<16xi1>, vector<16xi32>
          %swap3A = arith.index_cast %mul3A_97 : i32 to index
          %swap3A_107 = tpu.vector_load %arg13[%swap3A] {strides = array<i32>} : memref<400xi32, #tpu.memory_space<vmem>>, vector<16xi32>,
          %swap3A_108 = vector.shape_cast %swap3A_107 : vector<16xi32> to vector<16xi32>
          %swap3A_109 = vector.shape_cast %select_n3A : vector<16xi32> to vector<16xi32>
          tpu.vector_store %arg13[%swap3A], %swap3A_109 {strides = array<i32>} : memref<400xi32, #tpu.memory_space<vmem>>, vector<16xi32>,
        }
        %scan3A_85 = arith.constant 25 : i32
        %scan3A_86 = arith.constant 0 : i32
        %scan3A_87 = arith.constant 25 : i32
        %scan3A_88 = arith.addi %scan3A_86, %scan3A_87 : i32
        %scan3A_89 = arith.constant 1 : i32
        scf.for %scan3A_91 = %scan3A_86 to %scan3A_88 step %scan3A_89  : i32 {
          %mul3A_92 = arith.constant 1 : i32
          %mul3A_93 = arith.muli %scan3A_91, %mul3A_92 : i32
          %add3A_94 = arith.constant 0 : i32
          %add3A_95 = arith.addi %add3A_94, %mul3A_93 : i32
          %mul3A_96 = arith.constant 16 : i32
          %mul3A_97 = arith.muli %add3A_95, %mul3A_96 : i32
          %get3A = arith.index_cast %mul3A_97 : i32 to index
          %get3A_98 = tpu.vector_load %arg14[%get3A] {strides = array<i32>} : memref<400xi32, #tpu.memory_space<vmem>>, vector<16xi32>,
          %get3A_99 = vector.shape_cast %get3A_98 : vector<16xi32> to vector<16xi32>
          %ge3A_100 = vector.broadcast %mul3A_0 : i32 to vector<16xi32>
          %ge3A_101 = arith.cmpi sge, %get3A_99, %ge3A_100 : vector<16xi32>
          %add3A_102 = arith.constant 50000 : i32
          %add3A_103 = arith.addi %mul3A_0, %add3A_102 : i32
          %lt3A_104 = vector.broadcast %add3A_103 : i32 to vector<16xi32>
          %lt3A_105 = arith.cmpi slt, %get3A_99, %lt3A_104 : vector<16xi32>
          %and3A = arith.andi %ge3A_101, %lt3A_105 : vector<16xi1>
          %sub3A = vector.broadcast %mul3A_0 : i32 to vector<16xi32>
          %sub3A_106 = arith.subi %get3A_99, %sub3A : vector<16xi32>
          %broadcast_in_dim3A = vector.broadcast %add3A_1 : i32 to vector<16xi32>
          %select_n3A = arith.select %and3A, %sub3A_106, %broadcast_in_dim3A : vector<16xi1>, vector<16xi32>
          %swap3A = arith.index_cast %mul3A_97 : i32 to index
          %swap3A_107 = tpu.vector_load %arg14[%swap3A] {strides = array<i32>} : memref<400xi32, #tpu.memory_space<vmem>>, vector<16xi32>,
          %swap3A_108 = vector.shape_cast %swap3A_107 : vector<16xi32> to vector<16xi32>
          %swap3A_109 = vector.shape_cast %select_n3A : vector<16xi32> to vector<16xi32>
          tpu.vector_store %arg14[%swap3A], %swap3A_109 {strides = array<i32>} : memref<400xi32, #tpu.memory_space<vmem>>, vector<16xi32>,
        }
        %scan3A_90 = arith.constant 25 : i32
      } else {
      }
      %mul3A_55 = arith.constant 2 : i32
      %mul3A_56 = arith.muli %add3A_41, %mul3A_55 : i32
      %add3A_57 = arith.constant 1 : i32
      %add3A_58 = arith.addi %mul3A_56, %add3A_57 : i32
      %dma_start3A_59 = arith.constant 0 : i32
      %dma_start3A_60 = arith.constant 0 : i32
      %dma_start3A_61 = tpu.memref_slice %arg7[%dma_start3A_59, %dma_start3A_60] : memref<50016x32xf32, #tpu.memory_space<vmem_shared>> -> memref<50016x32xf32, #tpu.memory_space<vmem_shared>>
      tpu.enqueue_indirect_dma source(%arg12 : memref<400x32xf32, #tpu.memory_space<vmem>>) target(%dma_start3A_61 : memref<50016x32xf32, #tpu.memory_space<vmem_shared>>) offsets(%arg13 : memref<400xi32, #tpu.memory_space<vmem>>) semaphore(%arg15 : memref<!tpu.dma_semaphore, #tpu.memory_space<semaphore_mem>>) {add = true}
      %dma_start3A_62 = arith.constant 0 : i32
      %dma_start3A_63 = arith.constant 0 : i32
      %dma_start3A_64 = tpu.memref_slice %arg7[%dma_start3A_62, %dma_start3A_63] : memref<50016x32xf32, #tpu.memory_space<vmem_shared>> -> memref<50016x32xf32, #tpu.memory_space<vmem_shared>>
      tpu.enqueue_indirect_dma source(%arg12 : memref<400x32xf32, #tpu.memory_space<vmem>>) target(%dma_start3A_64 : memref<50016x32xf32, #tpu.memory_space<vmem_shared>>) offsets(%arg14 : memref<400xi32, #tpu.memory_space<vmem>>) semaphore(%arg15 : memref<!tpu.dma_semaphore, #tpu.memory_space<semaphore_mem>>) {add = true}
      %add3A_65 = arith.constant 1 : i32
      %add3A_66 = arith.addi %add3A_58, %add3A_65 : i32
      %lt3A_67 = arith.constant 250 : i32
      %lt3A_68 = arith.cmpi slt, %add3A_66, %lt3A_67 : i32
      %convert_element_type3A_69 = arith.extui %lt3A_68 : i1 to i32
      %cond3A_70 = arith.constant 0 : i32
      %cond3A_71 = arith.cmpi ne, %convert_element_type3A_69, %cond3A_70 : i32
      scf.if %cond3A_71 {
        %ge3A = arith.constant 1 : i32
        %ge3A_72 = arith.cmpi sge, %add3A_58, %ge3A : i32
        %convert_element_type3A_73 = arith.extui %ge3A_72 : i1 to i32
        %cond3A_74 = arith.constant 0 : i32
        %cond3A_75 = arith.cmpi ne, %convert_element_type3A_73, %cond3A_74 : i32
        scf.if %cond3A_75 {
          %dma_wait3A_91 = arith.constant 0 : i32
          %dma_wait3A_92 = arith.constant 0 : i32
          %dma_wait3A_93 = tpu.memref_slice %arg7[%dma_wait3A_91, %dma_wait3A_92] : memref<50016x32xf32, #tpu.memory_space<vmem_shared>> -> memref<50016x32xf32, #tpu.memory_space<vmem_shared>>
          tpu.wait_indirect_dma semaphore(%arg11 : memref<!tpu.dma_semaphore, #tpu.memory_space<semaphore_mem>>) src(%arg8 : memref<400x32xf32, #tpu.memory_space<vmem>>) dst(%dma_wait3A_93 : memref<50016x32xf32, #tpu.memory_space<vmem_shared>>)
          %dma_wait3A_94 = arith.constant 0 : i32
          %dma_wait3A_95 = arith.constant 0 : i32
          %dma_wait3A_96 = tpu.memref_slice %arg7[%dma_wait3A_94, %dma_wait3A_95] : memref<50016x32xf32, #tpu.memory_space<vmem_shared>> -> memref<50016x32xf32, #tpu.memory_space<vmem_shared>>
          tpu.wait_indirect_dma semaphore(%arg11 : memref<!tpu.dma_semaphore, #tpu.memory_space<semaphore_mem>>) src(%arg8 : memref<400x32xf32, #tpu.memory_space<vmem>>) dst(%dma_wait3A_96 : memref<50016x32xf32, #tpu.memory_space<vmem_shared>>)
        } else {
        }
        %add3A_76 = arith.constant 1 : i32
        %add3A_77 = arith.addi %add3A_58, %add3A_76 : i32
        %mul3A_78 = arith.constant 400 : i32
        %mul3A_79 = arith.muli %add3A_77, %mul3A_78 : i32
        %add3A_80 = arith.addi %mul3A_5, %mul3A_79 : i32
        "tpu.region"() ({
          %run_scoped3A = tpu.sem_alloc : memref<!tpu.dma_semaphore, #tpu.memory_space<semaphore_mem>>
          %dma_start3A_91 = arith.constant 0 : i32
          %dma_start3A_92 = tpu.memref_slice %arg2[%add3A_80, %dma_start3A_91] : memref<1600000x32xf32, #tpu.memory_space<hbm>> -> memref<400x32xf32, #tpu.memory_space<hbm>>
          %dma_start3A_93 = arith.constant 0 : i32
          %dma_start3A_94 = tpu.memref_slice %arg2[%add3A_80, %dma_start3A_93] : memref<1600000x32xf32, #tpu.memory_space<hbm>> -> memref<400x32xf32, #tpu.memory_space<hbm>>
          tpu.enqueue_dma source(%dma_start3A_94 : memref<400x32xf32, #tpu.memory_space<hbm>>) target(%arg8 : memref<400x32xf32, #tpu.memory_space<vmem>>) target_semaphore(%run_scoped3A : memref<!tpu.dma_semaphore, #tpu.memory_space<semaphore_mem>>)
          %dma_wait3A_95 = arith.constant 0 : i32
          %dma_wait3A_96 = tpu.memref_slice %arg2[%add3A_80, %dma_wait3A_95] : memref<1600000x32xf32, #tpu.memory_space<hbm>> -> memref<400x32xf32, #tpu.memory_space<hbm>>
          %dma_wait3A_97 = arith.constant 0 : i32
          %dma_wait3A_98 = tpu.memref_slice %arg2[%add3A_80, %dma_wait3A_97] : memref<1600000x32xf32, #tpu.memory_space<hbm>> -> memref<400x32xf32, #tpu.memory_space<hbm>>
          tpu.wait_dma2 semaphore(%run_scoped3A : memref<!tpu.dma_semaphore, #tpu.memory_space<semaphore_mem>>) src(%dma_wait3A_98 : memref<400x32xf32, #tpu.memory_space<hbm>>) dst(%arg8 : memref<400x32xf32, #tpu.memory_space<vmem>>)
          tpu.yield
        }) : () -> ()
        "tpu.region"() ({
          %run_scoped3A = tpu.sem_alloc : memref<!tpu.dma_semaphore, #tpu.memory_space<semaphore_mem>>
          %dma_start3A_91 = tpu.memref_slice %arg3[%add3A_80] : memref<1600000xi32, #tpu.memory_space<hbm>> -> memref<400xi32, #tpu.memory_space<hbm>>
          %dma_start3A_92 = tpu.memref_slice %arg3[%add3A_80] : memref<1600000xi32, #tpu.memory_space<hbm>> -> memref<400xi32, #tpu.memory_space<hbm>>
          tpu.enqueue_dma source(%dma_start3A_92 : memref<400xi32, #tpu.memory_space<hbm>>) target(%arg9 : memref<400xi32, #tpu.memory_space<vmem>>) target_semaphore(%run_scoped3A : memref<!tpu.dma_semaphore, #tpu.memory_space<semaphore_mem>>)
          %dma_wait3A_93 = tpu.memref_slice %arg3[%add3A_80] : memref<1600000xi32, #tpu.memory_space<hbm>> -> memref<400xi32, #tpu.memory_space<hbm>>
          %dma_wait3A_94 = tpu.memref_slice %arg3[%add3A_80] : memref<1600000xi32, #tpu.memory_space<hbm>> -> memref<400xi32, #tpu.memory_space<hbm>>
          tpu.wait_dma2 semaphore(%run_scoped3A : memref<!tpu.dma_semaphore, #tpu.memory_space<semaphore_mem>>) src(%dma_wait3A_94 : memref<400xi32, #tpu.memory_space<hbm>>) dst(%arg9 : memref<400xi32, #tpu.memory_space<vmem>>)
          tpu.yield
        }) : () -> ()
        "tpu.region"() ({
          %run_scoped3A = tpu.sem_alloc : memref<!tpu.dma_semaphore, #tpu.memory_space<semaphore_mem>>
          %dma_start3A_91 = tpu.memref_slice %arg4[%add3A_80] : memref<1600000xi32, #tpu.memory_space<hbm>> -> memref<400xi32, #tpu.memory_space<hbm>>
          %dma_start3A_92 = tpu.memref_slice %arg4[%add3A_80] : memref<1600000xi32, #tpu.memory_space<hbm>> -> memref<400xi32, #tpu.memory_space<hbm>>
          tpu.enqueue_dma source(%dma_start3A_92 : memref<400xi32, #tpu.memory_space<hbm>>) target(%arg10 : memref<400xi32, #tpu.memory_space<vmem>>) target_semaphore(%run_scoped3A : memref<!tpu.dma_semaphore, #tpu.memory_space<semaphore_mem>>)
          %dma_wait3A_93 = tpu.memref_slice %arg4[%add3A_80] : memref<1600000xi32, #tpu.memory_space<hbm>> -> memref<400xi32, #tpu.memory_space<hbm>>
          %dma_wait3A_94 = tpu.memref_slice %arg4[%add3A_80] : memref<1600000xi32, #tpu.memory_space<hbm>> -> memref<400xi32, #tpu.memory_space<hbm>>
          tpu.wait_dma2 semaphore(%run_scoped3A : memref<!tpu.dma_semaphore, #tpu.memory_space<semaphore_mem>>) src(%dma_wait3A_94 : memref<400xi32, #tpu.memory_space<hbm>>) dst(%arg10 : memref<400xi32, #tpu.memory_space<vmem>>)
          tpu.yield
        }) : () -> ()
        %scan3A_81 = arith.constant 0 : i32
        %scan3A_82 = arith.constant 25 : i32
        %scan3A_83 = arith.addi %scan3A_81, %scan3A_82 : i32
        %scan3A_84 = arith.constant 1 : i32
        scf.for %scan3A_91 = %scan3A_81 to %scan3A_83 step %scan3A_84  : i32 {
          %mul3A_92 = arith.constant 1 : i32
          %mul3A_93 = arith.muli %scan3A_91, %mul3A_92 : i32
          %add3A_94 = arith.constant 0 : i32
          %add3A_95 = arith.addi %add3A_94, %mul3A_93 : i32
          %mul3A_96 = arith.constant 16 : i32
          %mul3A_97 = arith.muli %add3A_95, %mul3A_96 : i32
          %get3A = arith.index_cast %mul3A_97 : i32 to index
          %get3A_98 = tpu.vector_load %arg9[%get3A] {strides = array<i32>} : memref<400xi32, #tpu.memory_space<vmem>>, vector<16xi32>,
          %get3A_99 = vector.shape_cast %get3A_98 : vector<16xi32> to vector<16xi32>
          %ge3A_100 = vector.broadcast %mul3A_0 : i32 to vector<16xi32>
          %ge3A_101 = arith.cmpi sge, %get3A_99, %ge3A_100 : vector<16xi32>
          %add3A_102 = arith.constant 50000 : i32
          %add3A_103 = arith.addi %mul3A_0, %add3A_102 : i32
          %lt3A_104 = vector.broadcast %add3A_103 : i32 to vector<16xi32>
          %lt3A_105 = arith.cmpi slt, %get3A_99, %lt3A_104 : vector<16xi32>
          %and3A = arith.andi %ge3A_101, %lt3A_105 : vector<16xi1>
          %sub3A = vector.broadcast %mul3A_0 : i32 to vector<16xi32>
          %sub3A_106 = arith.subi %get3A_99, %sub3A : vector<16xi32>
          %broadcast_in_dim3A = vector.broadcast %add3A_1 : i32 to vector<16xi32>
          %select_n3A = arith.select %and3A, %sub3A_106, %broadcast_in_dim3A : vector<16xi1>, vector<16xi32>
          %swap3A = arith.index_cast %mul3A_97 : i32 to index
          %swap3A_107 = tpu.vector_load %arg9[%swap3A] {strides = array<i32>} : memref<400xi32, #tpu.memory_space<vmem>>, vector<16xi32>,
          %swap3A_108 = vector.shape_cast %swap3A_107 : vector<16xi32> to vector<16xi32>
          %swap3A_109 = vector.shape_cast %select_n3A : vector<16xi32> to vector<16xi32>
          tpu.vector_store %arg9[%swap3A], %swap3A_109 {strides = array<i32>} : memref<400xi32, #tpu.memory_space<vmem>>, vector<16xi32>,
        }
        %scan3A_85 = arith.constant 25 : i32
        %scan3A_86 = arith.constant 0 : i32
        %scan3A_87 = arith.constant 25 : i32
        %scan3A_88 = arith.addi %scan3A_86, %scan3A_87 : i32
        %scan3A_89 = arith.constant 1 : i32
        scf.for %scan3A_91 = %scan3A_86 to %scan3A_88 step %scan3A_89  : i32 {
          %mul3A_92 = arith.constant 1 : i32
          %mul3A_93 = arith.muli %scan3A_91, %mul3A_92 : i32
          %add3A_94 = arith.constant 0 : i32
          %add3A_95 = arith.addi %add3A_94, %mul3A_93 : i32
          %mul3A_96 = arith.constant 16 : i32
          %mul3A_97 = arith.muli %add3A_95, %mul3A_96 : i32
          %get3A = arith.index_cast %mul3A_97 : i32 to index
          %get3A_98 = tpu.vector_load %arg10[%get3A] {strides = array<i32>} : memref<400xi32, #tpu.memory_space<vmem>>, vector<16xi32>,
          %get3A_99 = vector.shape_cast %get3A_98 : vector<16xi32> to vector<16xi32>
          %ge3A_100 = vector.broadcast %mul3A_0 : i32 to vector<16xi32>
          %ge3A_101 = arith.cmpi sge, %get3A_99, %ge3A_100 : vector<16xi32>
          %add3A_102 = arith.constant 50000 : i32
          %add3A_103 = arith.addi %mul3A_0, %add3A_102 : i32
          %lt3A_104 = vector.broadcast %add3A_103 : i32 to vector<16xi32>
          %lt3A_105 = arith.cmpi slt, %get3A_99, %lt3A_104 : vector<16xi32>
          %and3A = arith.andi %ge3A_101, %lt3A_105 : vector<16xi1>
          %sub3A = vector.broadcast %mul3A_0 : i32 to vector<16xi32>
          %sub3A_106 = arith.subi %get3A_99, %sub3A : vector<16xi32>
          %broadcast_in_dim3A = vector.broadcast %add3A_1 : i32 to vector<16xi32>
          %select_n3A = arith.select %and3A, %sub3A_106, %broadcast_in_dim3A : vector<16xi1>, vector<16xi32>
          %swap3A = arith.index_cast %mul3A_97 : i32 to index
          %swap3A_107 = tpu.vector_load %arg10[%swap3A] {strides = array<i32>} : memref<400xi32, #tpu.memory_space<vmem>>, vector<16xi32>,
          %swap3A_108 = vector.shape_cast %swap3A_107 : vector<16xi32> to vector<16xi32>
          %swap3A_109 = vector.shape_cast %select_n3A : vector<16xi32> to vector<16xi32>
          tpu.vector_store %arg10[%swap3A], %swap3A_109 {strides = array<i32>} : memref<400xi32, #tpu.memory_space<vmem>>, vector<16xi32>,
        }
        %scan3A_90 = arith.constant 25 : i32
      } else {
      }
    }
    %scan3A_19 = arith.constant 125 : i32
    %dma_wait3A = arith.constant 0 : i32
    %dma_wait3A_20 = arith.constant 0 : i32
    %dma_wait3A_21 = tpu.memref_slice %arg7[%dma_wait3A, %dma_wait3A_20] : memref<50016x32xf32, #tpu.memory_space<vmem_shared>> -> memref<50016x32xf32, #tpu.memory_space<vmem_shared>>
    tpu.wait_indirect_dma semaphore(%arg11 : memref<!tpu.dma_semaphore, #tpu.memory_space<semaphore_mem>>) src(%arg8 : memref<400x32xf32, #tpu.memory_space<vmem>>) dst(%dma_wait3A_21 : memref<50016x32xf32, #tpu.memory_space<vmem_shared>>)
    %dma_wait3A_22 = arith.constant 0 : i32
    %dma_wait3A_23 = arith.constant 0 : i32
    %dma_wait3A_24 = tpu.memref_slice %arg7[%dma_wait3A_22, %dma_wait3A_23] : memref<50016x32xf32, #tpu.memory_space<vmem_shared>> -> memref<50016x32xf32, #tpu.memory_space<vmem_shared>>
    tpu.wait_indirect_dma semaphore(%arg11 : memref<!tpu.dma_semaphore, #tpu.memory_space<semaphore_mem>>) src(%arg8 : memref<400x32xf32, #tpu.memory_space<vmem>>) dst(%dma_wait3A_24 : memref<50016x32xf32, #tpu.memory_space<vmem_shared>>)
    %dma_wait3A_25 = arith.constant 0 : i32
    %dma_wait3A_26 = arith.constant 0 : i32
    %dma_wait3A_27 = tpu.memref_slice %arg7[%dma_wait3A_25, %dma_wait3A_26] : memref<50016x32xf32, #tpu.memory_space<vmem_shared>> -> memref<50016x32xf32, #tpu.memory_space<vmem_shared>>
    tpu.wait_indirect_dma semaphore(%arg15 : memref<!tpu.dma_semaphore, #tpu.memory_space<semaphore_mem>>) src(%arg12 : memref<400x32xf32, #tpu.memory_space<vmem>>) dst(%dma_wait3A_27 : memref<50016x32xf32, #tpu.memory_space<vmem_shared>>)
    %dma_wait3A_28 = arith.constant 0 : i32
    %dma_wait3A_29 = arith.constant 0 : i32
    %dma_wait3A_30 = tpu.memref_slice %arg7[%dma_wait3A_28, %dma_wait3A_29] : memref<50016x32xf32, #tpu.memory_space<vmem_shared>> -> memref<50016x32xf32, #tpu.memory_space<vmem_shared>>
    tpu.wait_indirect_dma semaphore(%arg15 : memref<!tpu.dma_semaphore, #tpu.memory_space<semaphore_mem>>) src(%arg12 : memref<400x32xf32, #tpu.memory_space<vmem>>) dst(%dma_wait3A_30 : memref<50016x32xf32, #tpu.memory_space<vmem_shared>>)
    %barrier3A_31 = arith.constant 0 : index
    tpu.barrier barrier_id(%barrier3A_31)
    %mul3A_32 = arith.constant 3125 : i32
    %mul3A_33 = arith.muli %arg1, %mul3A_32 : i32
    %mul3A_34 = arith.constant 3125 : i32
    %mul3A_35 = arith.muli %arg1, %mul3A_34 : i32
    %add3A_36 = arith.addi %mul3A_0, %mul3A_35 : i32
    "tpu.region"() ({
      %run_scoped3A = tpu.sem_alloc : memref<!tpu.dma_semaphore, #tpu.memory_space<semaphore_mem>>
      %dma_start3A = arith.constant 0 : i32
      %dma_start3A_37 = tpu.memref_slice %arg6[%add3A_36, %dma_start3A] : memref<100000x32xf32, #tpu.memory_space<hbm>> -> memref<3125x32xf32, #tpu.memory_space<hbm>>
      %dma_start3A_38 = arith.constant 0 : i32
      %dma_start3A_39 = tpu.memref_slice %arg7[%mul3A_33, %dma_start3A_38] : memref<50016x32xf32, #tpu.memory_space<vmem_shared>> -> memref<3125x32xf32, #tpu.memory_space<vmem_shared>>
      tpu.enqueue_dma source(%dma_start3A_39 : memref<3125x32xf32, #tpu.memory_space<vmem_shared>>) target(%dma_start3A_37 : memref<3125x32xf32, #tpu.memory_space<hbm>>) target_semaphore(%run_scoped3A : memref<!tpu.dma_semaphore, #tpu.memory_space<semaphore_mem>>)
      %dma_wait3A_40 = arith.constant 0 : i32
      %dma_wait3A_41 = tpu.memref_slice %arg6[%add3A_36, %dma_wait3A_40] : memref<100000x32xf32, #tpu.memory_space<hbm>> -> memref<3125x32xf32, #tpu.memory_space<hbm>>
      %dma_wait3A_42 = arith.constant 0 : i32
      %dma_wait3A_43 = tpu.memref_slice %arg7[%mul3A_33, %dma_wait3A_42] : memref<50016x32xf32, #tpu.memory_space<vmem_shared>> -> memref<3125x32xf32, #tpu.memory_space<vmem_shared>>
      tpu.wait_dma2 semaphore(%run_scoped3A : memref<!tpu.dma_semaphore, #tpu.memory_space<semaphore_mem>>) src(%dma_wait3A_43 : memref<3125x32xf32, #tpu.memory_space<vmem_shared>>) dst(%dma_wait3A_41 : memref<3125x32xf32, #tpu.memory_space<hbm>>)
      tpu.yield
    }) : () -> ()
    return
  }
}

#map = affine_map<(d0, d1) -> (0, 0)>
#map1 = affine_map<(d0, d1) -> (0)>
module attributes {stable_mosaic.version = 14 : i64} {
  func.func @k(%arg0: i32, %arg1: i32, %arg2: memref<100000x32xf32, #tpu.memory_space<hbm>>, %arg3: memref<100000x32xf32, #tpu.memory_space<hbm>>, %arg4: memref<1600000xi32, #tpu.memory_space<hbm>>, %arg5: memref<1600000xi32, #tpu.memory_space<hbm>>, %arg6: memref<1600000x32xf32, #tpu.memory_space<hbm>>, %arg7: memref<200xi32, #tpu.memory_space<vmem>>, %arg8: memref<200xi32, #tpu.memory_space<vmem>>, %arg9: memref<200x32xf32, #tpu.memory_space<vmem>>, %arg10: memref<200x32xf32, #tpu.memory_space<vmem>>, %arg11: memref<200x32xf32, #tpu.memory_space<vmem>>, %arg12: memref<!tpu.dma_semaphore, #tpu.memory_space<semaphore_mem>>, %arg13: memref<!tpu.dma_semaphore, #tpu.memory_space<semaphore_mem>>, %arg14: memref<200xi32, #tpu.memory_space<vmem>>, %arg15: memref<200xi32, #tpu.memory_space<vmem>>, %arg16: memref<200x32xf32, #tpu.memory_space<vmem>>, %arg17: memref<200x32xf32, #tpu.memory_space<vmem>>, %arg18: memref<200x32xf32, #tpu.memory_space<vmem>>, %arg19: memref<!tpu.dma_semaphore, #tpu.memory_space<semaphore_mem>>, %arg20: memref<!tpu.dma_semaphore, #tpu.memory_space<semaphore_mem>>) attributes {dimension_semantics = [#tpu.dimension_semantics<core_parallel>, #tpu.dimension_semantics<subcore_parallel>], iteration_bounds = array<i64: 2, 16>, scalar_prefetch = 0 : i64, scratch_operands = 14 : i64, tpu.core_type = #tpu.core_type<sc_vector_subcore>, window_params = [{transform_indices = #map}, {transform_indices = #map}, {transform_indices = #map1}, {transform_indices = #map1}, {transform_indices = #map}]} {
    %mul3A = arith.constant 2 : i32
    %mul3A_0 = arith.muli %arg1, %mul3A : i32
    %add3A = arith.addi %mul3A_0, %arg0 : i32
    %mul3A_1 = arith.constant 50000 : i32
    %mul3A_2 = arith.muli %add3A, %mul3A_1 : i32
    %add3A_3 = arith.constant 0 : i32
    %add3A_4 = arith.addi %mul3A_2, %add3A_3 : i32
    "tpu.region"() ({
      %run_scoped3A = tpu.sem_alloc : memref<!tpu.dma_semaphore, #tpu.memory_space<semaphore_mem>>
      %dma_start3A_33 = tpu.memref_slice %arg4[%add3A_4] : memref<1600000xi32, #tpu.memory_space<hbm>> -> memref<200xi32, #tpu.memory_space<hbm>>
      %dma_start3A_34 = tpu.memref_slice %arg4[%add3A_4] : memref<1600000xi32, #tpu.memory_space<hbm>> -> memref<200xi32, #tpu.memory_space<hbm>>
      tpu.enqueue_dma source(%dma_start3A_34 : memref<200xi32, #tpu.memory_space<hbm>>) target(%arg7 : memref<200xi32, #tpu.memory_space<vmem>>) target_semaphore(%run_scoped3A : memref<!tpu.dma_semaphore, #tpu.memory_space<semaphore_mem>>)
      %dma_wait3A_35 = tpu.memref_slice %arg4[%add3A_4] : memref<1600000xi32, #tpu.memory_space<hbm>> -> memref<200xi32, #tpu.memory_space<hbm>>
      %dma_wait3A_36 = tpu.memref_slice %arg4[%add3A_4] : memref<1600000xi32, #tpu.memory_space<hbm>> -> memref<200xi32, #tpu.memory_space<hbm>>
      tpu.wait_dma2 semaphore(%run_scoped3A : memref<!tpu.dma_semaphore, #tpu.memory_space<semaphore_mem>>) src(%dma_wait3A_36 : memref<200xi32, #tpu.memory_space<hbm>>) dst(%arg7 : memref<200xi32, #tpu.memory_space<vmem>>)
      tpu.yield
    }) : () -> ()
    "tpu.region"() ({
      %run_scoped3A = tpu.sem_alloc : memref<!tpu.dma_semaphore, #tpu.memory_space<semaphore_mem>>
      %dma_start3A_33 = tpu.memref_slice %arg5[%add3A_4] : memref<1600000xi32, #tpu.memory_space<hbm>> -> memref<200xi32, #tpu.memory_space<hbm>>
      %dma_start3A_34 = tpu.memref_slice %arg5[%add3A_4] : memref<1600000xi32, #tpu.memory_space<hbm>> -> memref<200xi32, #tpu.memory_space<hbm>>
      tpu.enqueue_dma source(%dma_start3A_34 : memref<200xi32, #tpu.memory_space<hbm>>) target(%arg8 : memref<200xi32, #tpu.memory_space<vmem>>) target_semaphore(%run_scoped3A : memref<!tpu.dma_semaphore, #tpu.memory_space<semaphore_mem>>)
      %dma_wait3A_35 = tpu.memref_slice %arg5[%add3A_4] : memref<1600000xi32, #tpu.memory_space<hbm>> -> memref<200xi32, #tpu.memory_space<hbm>>
      %dma_wait3A_36 = tpu.memref_slice %arg5[%add3A_4] : memref<1600000xi32, #tpu.memory_space<hbm>> -> memref<200xi32, #tpu.memory_space<hbm>>
      tpu.wait_dma2 semaphore(%run_scoped3A : memref<!tpu.dma_semaphore, #tpu.memory_space<semaphore_mem>>) src(%dma_wait3A_36 : memref<200xi32, #tpu.memory_space<hbm>>) dst(%arg8 : memref<200xi32, #tpu.memory_space<vmem>>)
      tpu.yield
    }) : () -> ()
    %dma_start3A = arith.constant 0 : i32
    %dma_start3A_5 = arith.constant 0 : i32
    %dma_start3A_6 = tpu.memref_slice %arg2[%dma_start3A, %dma_start3A_5] : memref<100000x32xf32, #tpu.memory_space<hbm>> -> memref<100000x32xf32, #tpu.memory_space<hbm>>
    tpu.enqueue_indirect_dma source(%dma_start3A_6 : memref<100000x32xf32, #tpu.memory_space<hbm>>) target(%arg9 : memref<200x32xf32, #tpu.memory_space<vmem>>) offsets(%arg7 : memref<200xi32, #tpu.memory_space<vmem>>) semaphore(%arg12 : memref<!tpu.dma_semaphore, #tpu.memory_space<semaphore_mem>>)
    %dma_start3A_7 = arith.constant 0 : i32
    %dma_start3A_8 = arith.constant 0 : i32
    %dma_start3A_9 = tpu.memref_slice %arg3[%dma_start3A_7, %dma_start3A_8] : memref<100000x32xf32, #tpu.memory_space<hbm>> -> memref<100000x32xf32, #tpu.memory_space<hbm>>
    tpu.enqueue_indirect_dma source(%dma_start3A_9 : memref<100000x32xf32, #tpu.memory_space<hbm>>) target(%arg10 : memref<200x32xf32, #tpu.memory_space<vmem>>) offsets(%arg8 : memref<200xi32, #tpu.memory_space<vmem>>) semaphore(%arg12 : memref<!tpu.dma_semaphore, #tpu.memory_space<semaphore_mem>>)
    %add3A_10 = arith.constant 200 : i32
    %add3A_11 = arith.addi %mul3A_2, %add3A_10 : i32
    "tpu.region"() ({
      %run_scoped3A = tpu.sem_alloc : memref<!tpu.dma_semaphore, #tpu.memory_space<semaphore_mem>>
      %dma_start3A_33 = tpu.memref_slice %arg4[%add3A_11] : memref<1600000xi32, #tpu.memory_space<hbm>> -> memref<200xi32, #tpu.memory_space<hbm>>
      %dma_start3A_34 = tpu.memref_slice %arg4[%add3A_11] : memref<1600000xi32, #tpu.memory_space<hbm>> -> memref<200xi32, #tpu.memory_space<hbm>>
      tpu.enqueue_dma source(%dma_start3A_34 : memref<200xi32, #tpu.memory_space<hbm>>) target(%arg14 : memref<200xi32, #tpu.memory_space<vmem>>) target_semaphore(%run_scoped3A : memref<!tpu.dma_semaphore, #tpu.memory_space<semaphore_mem>>)
      %dma_wait3A_35 = tpu.memref_slice %arg4[%add3A_11] : memref<1600000xi32, #tpu.memory_space<hbm>> -> memref<200xi32, #tpu.memory_space<hbm>>
      %dma_wait3A_36 = tpu.memref_slice %arg4[%add3A_11] : memref<1600000xi32, #tpu.memory_space<hbm>> -> memref<200xi32, #tpu.memory_space<hbm>>
      tpu.wait_dma2 semaphore(%run_scoped3A : memref<!tpu.dma_semaphore, #tpu.memory_space<semaphore_mem>>) src(%dma_wait3A_36 : memref<200xi32, #tpu.memory_space<hbm>>) dst(%arg14 : memref<200xi32, #tpu.memory_space<vmem>>)
      tpu.yield
    }) : () -> ()
    "tpu.region"() ({
      %run_scoped3A = tpu.sem_alloc : memref<!tpu.dma_semaphore, #tpu.memory_space<semaphore_mem>>
      %dma_start3A_33 = tpu.memref_slice %arg5[%add3A_11] : memref<1600000xi32, #tpu.memory_space<hbm>> -> memref<200xi32, #tpu.memory_space<hbm>>
      %dma_start3A_34 = tpu.memref_slice %arg5[%add3A_11] : memref<1600000xi32, #tpu.memory_space<hbm>> -> memref<200xi32, #tpu.memory_space<hbm>>
      tpu.enqueue_dma source(%dma_start3A_34 : memref<200xi32, #tpu.memory_space<hbm>>) target(%arg15 : memref<200xi32, #tpu.memory_space<vmem>>) target_semaphore(%run_scoped3A : memref<!tpu.dma_semaphore, #tpu.memory_space<semaphore_mem>>)
      %dma_wait3A_35 = tpu.memref_slice %arg5[%add3A_11] : memref<1600000xi32, #tpu.memory_space<hbm>> -> memref<200xi32, #tpu.memory_space<hbm>>
      %dma_wait3A_36 = tpu.memref_slice %arg5[%add3A_11] : memref<1600000xi32, #tpu.memory_space<hbm>> -> memref<200xi32, #tpu.memory_space<hbm>>
      tpu.wait_dma2 semaphore(%run_scoped3A : memref<!tpu.dma_semaphore, #tpu.memory_space<semaphore_mem>>) src(%dma_wait3A_36 : memref<200xi32, #tpu.memory_space<hbm>>) dst(%arg15 : memref<200xi32, #tpu.memory_space<vmem>>)
      tpu.yield
    }) : () -> ()
    %dma_start3A_12 = arith.constant 0 : i32
    %dma_start3A_13 = arith.constant 0 : i32
    %dma_start3A_14 = tpu.memref_slice %arg2[%dma_start3A_12, %dma_start3A_13] : memref<100000x32xf32, #tpu.memory_space<hbm>> -> memref<100000x32xf32, #tpu.memory_space<hbm>>
    tpu.enqueue_indirect_dma source(%dma_start3A_14 : memref<100000x32xf32, #tpu.memory_space<hbm>>) target(%arg16 : memref<200x32xf32, #tpu.memory_space<vmem>>) offsets(%arg14 : memref<200xi32, #tpu.memory_space<vmem>>) semaphore(%arg19 : memref<!tpu.dma_semaphore, #tpu.memory_space<semaphore_mem>>)
    %dma_start3A_15 = arith.constant 0 : i32
    %dma_start3A_16 = arith.constant 0 : i32
    %dma_start3A_17 = tpu.memref_slice %arg3[%dma_start3A_15, %dma_start3A_16] : memref<100000x32xf32, #tpu.memory_space<hbm>> -> memref<100000x32xf32, #tpu.memory_space<hbm>>
    tpu.enqueue_indirect_dma source(%dma_start3A_17 : memref<100000x32xf32, #tpu.memory_space<hbm>>) target(%arg17 : memref<200x32xf32, #tpu.memory_space<vmem>>) offsets(%arg15 : memref<200xi32, #tpu.memory_space<vmem>>) semaphore(%arg19 : memref<!tpu.dma_semaphore, #tpu.memory_space<semaphore_mem>>)
    %scan3A = arith.constant 0 : i32
    %scan3A_18 = arith.constant 125 : i32
    %scan3A_19 = arith.addi %scan3A, %scan3A_18 : i32
    %scan3A_20 = arith.constant 1 : i32
    scf.for %scan3A_33 = %scan3A to %scan3A_19 step %scan3A_20  : i32 {
      %mul3A_34 = arith.constant 1 : i32
      %mul3A_35 = arith.muli %scan3A_33, %mul3A_34 : i32
      %add3A_36 = arith.constant 0 : i32
      %add3A_37 = arith.addi %add3A_36, %mul3A_35 : i32
      %mul3A_38 = arith.constant 2 : i32
      %mul3A_39 = arith.muli %add3A_37, %mul3A_38 : i32
      %add3A_40 = arith.constant 0 : i32
      %add3A_41 = arith.addi %mul3A_39, %add3A_40 : i32
      %mul3A_42 = arith.constant 200 : i32
      %mul3A_43 = arith.muli %add3A_41, %mul3A_42 : i32
      %add3A_44 = arith.addi %mul3A_2, %mul3A_43 : i32
      %dma_wait3A_45 = arith.constant 0 : i32
      %dma_wait3A_46 = arith.constant 0 : i32
      %dma_wait3A_47 = tpu.memref_slice %arg2[%dma_wait3A_45, %dma_wait3A_46] : memref<100000x32xf32, #tpu.memory_space<hbm>> -> memref<100000x32xf32, #tpu.memory_space<hbm>>
      tpu.wait_indirect_dma semaphore(%arg12 : memref<!tpu.dma_semaphore, #tpu.memory_space<semaphore_mem>>) src(%dma_wait3A_47 : memref<100000x32xf32, #tpu.memory_space<hbm>>) dst(%arg9 : memref<200x32xf32, #tpu.memory_space<vmem>>)
      %dma_wait3A_48 = arith.constant 0 : i32
      %dma_wait3A_49 = arith.constant 0 : i32
      %dma_wait3A_50 = tpu.memref_slice %arg3[%dma_wait3A_48, %dma_wait3A_49] : memref<100000x32xf32, #tpu.memory_space<hbm>> -> memref<100000x32xf32, #tpu.memory_space<hbm>>
      tpu.wait_indirect_dma semaphore(%arg12 : memref<!tpu.dma_semaphore, #tpu.memory_space<semaphore_mem>>) src(%dma_wait3A_50 : memref<100000x32xf32, #tpu.memory_space<hbm>>) dst(%arg10 : memref<200x32xf32, #tpu.memory_space<vmem>>)
      %gt3A = arith.constant 0 : i32
      %gt3A_51 = arith.cmpi sgt, %add3A_37, %gt3A : i32
      %convert_element_type3A = arith.extui %gt3A_51 : i1 to i32
      %cond3A = arith.constant 0 : i32
      %cond3A_52 = arith.cmpi ne, %convert_element_type3A, %cond3A : i32
      scf.if %cond3A_52 {
        %sub3A = arith.constant 400 : i32
        %sub3A_110 = arith.subi %add3A_44, %sub3A : i32
        %dma_wait3A_111 = arith.constant 0 : i32
        %dma_wait3A_112 = tpu.memref_slice %arg6[%sub3A_110, %dma_wait3A_111] : memref<1600000x32xf32, #tpu.memory_space<hbm>> -> memref<200x32xf32, #tpu.memory_space<hbm>>
        %dma_wait3A_113 = arith.constant 0 : i32
        %dma_wait3A_114 = tpu.memref_slice %arg6[%sub3A_110, %dma_wait3A_113] : memref<1600000x32xf32, #tpu.memory_space<hbm>> -> memref<200x32xf32, #tpu.memory_space<hbm>>
        tpu.wait_dma2 semaphore(%arg13 : memref<!tpu.dma_semaphore, #tpu.memory_space<semaphore_mem>>) src(%arg11 : memref<200x32xf32, #tpu.memory_space<vmem>>) dst(%dma_wait3A_114 : memref<200x32xf32, #tpu.memory_space<hbm>>)
      } else {
      }
      %scan3A_53 = arith.constant 0 : i32
      %scan3A_54 = arith.constant 200 : i32
      %scan3A_55 = arith.addi %scan3A_53, %scan3A_54 : i32
      %scan3A_56 = arith.constant 1 : i32
      scf.for %scan3A_110 = %scan3A_53 to %scan3A_55 step %scan3A_56  : i32 {
        %mul3A_111 = arith.constant 1 : i32
        %mul3A_112 = arith.muli %scan3A_110, %mul3A_111 : i32
        %add3A_113 = arith.constant 0 : i32
        %add3A_114 = arith.addi %add3A_113, %mul3A_112 : i32
        %get3A = arith.index_cast %add3A_114 : i32 to index
        %get3A_115 = arith.constant 0 : index
        %get3A_116 = tpu.vector_load %arg9[%get3A, %get3A_115] {strides = array<i32>} : memref<200x32xf32, #tpu.memory_space<vmem>>, vector<1x16xf32>,
        %get3A_117 = vector.shape_cast %get3A_116 : vector<1x16xf32> to vector<1x16xf32>
        %get3A_118 = arith.index_cast %add3A_114 : i32 to index
        %get3A_119 = arith.constant 0 : index
        %get3A_120 = tpu.vector_load %arg10[%get3A_118, %get3A_119] {strides = array<i32>} : memref<200x32xf32, #tpu.memory_space<vmem>>, vector<1x16xf32>,
        %get3A_121 = vector.shape_cast %get3A_120 : vector<1x16xf32> to vector<1x16xf32>
        %add3A_122 = arith.addf %get3A_117, %get3A_121 : vector<1x16xf32>
        %swap3A = arith.index_cast %add3A_114 : i32 to index
        %swap3A_123 = arith.constant 0 : index
        %swap3A_124 = tpu.vector_load %arg11[%swap3A, %swap3A_123] {strides = array<i32>} : memref<200x32xf32, #tpu.memory_space<vmem>>, vector<1x16xf32>,
        %swap3A_125 = vector.shape_cast %swap3A_124 : vector<1x16xf32> to vector<1x16xf32>
        %swap3A_126 = vector.shape_cast %add3A_122 : vector<1x16xf32> to vector<1x16xf32>
        tpu.vector_store %arg11[%swap3A, %swap3A_123], %swap3A_126 {strides = array<i32>} : memref<200x32xf32, #tpu.memory_space<vmem>>, vector<1x16xf32>,
        %get3A_127 = arith.index_cast %add3A_114 : i32 to index
        %get3A_128 = arith.constant 16 : index
        %get3A_129 = tpu.vector_load %arg9[%get3A_127, %get3A_128] {strides = array<i32>} : memref<200x32xf32, #tpu.memory_space<vmem>>, vector<1x16xf32>,
        %get3A_130 = vector.shape_cast %get3A_129 : vector<1x16xf32> to vector<1x16xf32>
        %get3A_131 = arith.index_cast %add3A_114 : i32 to index
        %get3A_132 = arith.constant 16 : index
        %get3A_133 = tpu.vector_load %arg10[%get3A_131, %get3A_132] {strides = array<i32>} : memref<200x32xf32, #tpu.memory_space<vmem>>, vector<1x16xf32>,
        %get3A_134 = vector.shape_cast %get3A_133 : vector<1x16xf32> to vector<1x16xf32>
        %add3A_135 = arith.addf %get3A_130, %get3A_134 : vector<1x16xf32>
        %swap3A_136 = arith.index_cast %add3A_114 : i32 to index
        %swap3A_137 = arith.constant 16 : index
        %swap3A_138 = tpu.vector_load %arg11[%swap3A_136, %swap3A_137] {strides = array<i32>} : memref<200x32xf32, #tpu.memory_space<vmem>>, vector<1x16xf32>,
        %swap3A_139 = vector.shape_cast %swap3A_138 : vector<1x16xf32> to vector<1x16xf32>
        %swap3A_140 = vector.shape_cast %add3A_135 : vector<1x16xf32> to vector<1x16xf32>
        tpu.vector_store %arg11[%swap3A_136, %swap3A_137], %swap3A_140 {strides = array<i32>} : memref<200x32xf32, #tpu.memory_space<vmem>>, vector<1x16xf32>,
      }
      %scan3A_57 = arith.constant 200 : i32
      %dma_start3A_58 = arith.constant 0 : i32
      %dma_start3A_59 = tpu.memref_slice %arg6[%add3A_44, %dma_start3A_58] : memref<1600000x32xf32, #tpu.memory_space<hbm>> -> memref<200x32xf32, #tpu.memory_space<hbm>>
      %dma_start3A_60 = arith.constant 0 : i32
      %dma_start3A_61 = tpu.memref_slice %arg6[%add3A_44, %dma_start3A_60] : memref<1600000x32xf32, #tpu.memory_space<hbm>> -> memref<200x32xf32, #tpu.memory_space<hbm>>
      tpu.enqueue_dma source(%arg11 : memref<200x32xf32, #tpu.memory_space<vmem>>) target(%dma_start3A_61 : memref<200x32xf32, #tpu.memory_space<hbm>>) target_semaphore(%arg13 : memref<!tpu.dma_semaphore, #tpu.memory_space<semaphore_mem>>)
      %mul3A_62 = arith.constant 2 : i32
      %mul3A_63 = arith.muli %add3A_37, %mul3A_62 : i32
      %add3A_64 = arith.constant 0 : i32
      %add3A_65 = arith.addi %mul3A_63, %add3A_64 : i32
      %add3A_66 = arith.constant 2 : i32
      %add3A_67 = arith.addi %add3A_65, %add3A_66 : i32
      %lt3A = arith.constant 250 : i32
      %lt3A_68 = arith.cmpi slt, %add3A_67, %lt3A : i32
      %convert_element_type3A_69 = arith.extui %lt3A_68 : i1 to i32
      %cond3A_70 = arith.constant 0 : i32
      %cond3A_71 = arith.cmpi ne, %convert_element_type3A_69, %cond3A_70 : i32
      scf.if %cond3A_71 {
        %add3A_110 = arith.constant 400 : i32
        %add3A_111 = arith.addi %add3A_44, %add3A_110 : i32
        "tpu.region"() ({
          %run_scoped3A = tpu.sem_alloc : memref<!tpu.dma_semaphore, #tpu.memory_space<semaphore_mem>>
          %dma_start3A_118 = tpu.memref_slice %arg4[%add3A_111] : memref<1600000xi32, #tpu.memory_space<hbm>> -> memref<200xi32, #tpu.memory_space<hbm>>
          %dma_start3A_119 = tpu.memref_slice %arg4[%add3A_111] : memref<1600000xi32, #tpu.memory_space<hbm>> -> memref<200xi32, #tpu.memory_space<hbm>>
          tpu.enqueue_dma source(%dma_start3A_119 : memref<200xi32, #tpu.memory_space<hbm>>) target(%arg7 : memref<200xi32, #tpu.memory_space<vmem>>) target_semaphore(%run_scoped3A : memref<!tpu.dma_semaphore, #tpu.memory_space<semaphore_mem>>)
          %dma_wait3A_120 = tpu.memref_slice %arg4[%add3A_111] : memref<1600000xi32, #tpu.memory_space<hbm>> -> memref<200xi32, #tpu.memory_space<hbm>>
          %dma_wait3A_121 = tpu.memref_slice %arg4[%add3A_111] : memref<1600000xi32, #tpu.memory_space<hbm>> -> memref<200xi32, #tpu.memory_space<hbm>>
          tpu.wait_dma2 semaphore(%run_scoped3A : memref<!tpu.dma_semaphore, #tpu.memory_space<semaphore_mem>>) src(%dma_wait3A_121 : memref<200xi32, #tpu.memory_space<hbm>>) dst(%arg7 : memref<200xi32, #tpu.memory_space<vmem>>)
          tpu.yield
        }) : () -> ()
        "tpu.region"() ({
          %run_scoped3A = tpu.sem_alloc : memref<!tpu.dma_semaphore, #tpu.memory_space<semaphore_mem>>
          %dma_start3A_118 = tpu.memref_slice %arg5[%add3A_111] : memref<1600000xi32, #tpu.memory_space<hbm>> -> memref<200xi32, #tpu.memory_space<hbm>>
          %dma_start3A_119 = tpu.memref_slice %arg5[%add3A_111] : memref<1600000xi32, #tpu.memory_space<hbm>> -> memref<200xi32, #tpu.memory_space<hbm>>
          tpu.enqueue_dma source(%dma_start3A_119 : memref<200xi32, #tpu.memory_space<hbm>>) target(%arg8 : memref<200xi32, #tpu.memory_space<vmem>>) target_semaphore(%run_scoped3A : memref<!tpu.dma_semaphore, #tpu.memory_space<semaphore_mem>>)
          %dma_wait3A_120 = tpu.memref_slice %arg5[%add3A_111] : memref<1600000xi32, #tpu.memory_space<hbm>> -> memref<200xi32, #tpu.memory_space<hbm>>
          %dma_wait3A_121 = tpu.memref_slice %arg5[%add3A_111] : memref<1600000xi32, #tpu.memory_space<hbm>> -> memref<200xi32, #tpu.memory_space<hbm>>
          tpu.wait_dma2 semaphore(%run_scoped3A : memref<!tpu.dma_semaphore, #tpu.memory_space<semaphore_mem>>) src(%dma_wait3A_121 : memref<200xi32, #tpu.memory_space<hbm>>) dst(%arg8 : memref<200xi32, #tpu.memory_space<vmem>>)
          tpu.yield
        }) : () -> ()
        %dma_start3A_112 = arith.constant 0 : i32
        %dma_start3A_113 = arith.constant 0 : i32
        %dma_start3A_114 = tpu.memref_slice %arg2[%dma_start3A_112, %dma_start3A_113] : memref<100000x32xf32, #tpu.memory_space<hbm>> -> memref<100000x32xf32, #tpu.memory_space<hbm>>
        tpu.enqueue_indirect_dma source(%dma_start3A_114 : memref<100000x32xf32, #tpu.memory_space<hbm>>) target(%arg9 : memref<200x32xf32, #tpu.memory_space<vmem>>) offsets(%arg7 : memref<200xi32, #tpu.memory_space<vmem>>) semaphore(%arg12 : memref<!tpu.dma_semaphore, #tpu.memory_space<semaphore_mem>>)
        %dma_start3A_115 = arith.constant 0 : i32
        %dma_start3A_116 = arith.constant 0 : i32
        %dma_start3A_117 = tpu.memref_slice %arg3[%dma_start3A_115, %dma_start3A_116] : memref<100000x32xf32, #tpu.memory_space<hbm>> -> memref<100000x32xf32, #tpu.memory_space<hbm>>
        tpu.enqueue_indirect_dma source(%dma_start3A_117 : memref<100000x32xf32, #tpu.memory_space<hbm>>) target(%arg10 : memref<200x32xf32, #tpu.memory_space<vmem>>) offsets(%arg8 : memref<200xi32, #tpu.memory_space<vmem>>) semaphore(%arg12 : memref<!tpu.dma_semaphore, #tpu.memory_space<semaphore_mem>>)
      } else {
      }
      %mul3A_72 = arith.constant 2 : i32
      %mul3A_73 = arith.muli %add3A_37, %mul3A_72 : i32
      %add3A_74 = arith.constant 1 : i32
      %add3A_75 = arith.addi %mul3A_73, %add3A_74 : i32
      %mul3A_76 = arith.constant 200 : i32
      %mul3A_77 = arith.muli %add3A_75, %mul3A_76 : i32
      %add3A_78 = arith.addi %mul3A_2, %mul3A_77 : i32
      %dma_wait3A_79 = arith.constant 0 : i32
      %dma_wait3A_80 = arith.constant 0 : i32
      %dma_wait3A_81 = tpu.memref_slice %arg2[%dma_wait3A_79, %dma_wait3A_80] : memref<100000x32xf32, #tpu.memory_space<hbm>> -> memref<100000x32xf32, #tpu.memory_space<hbm>>
      tpu.wait_indirect_dma semaphore(%arg19 : memref<!tpu.dma_semaphore, #tpu.memory_space<semaphore_mem>>) src(%dma_wait3A_81 : memref<100000x32xf32, #tpu.memory_space<hbm>>) dst(%arg16 : memref<200x32xf32, #tpu.memory_space<vmem>>)
      %dma_wait3A_82 = arith.constant 0 : i32
      %dma_wait3A_83 = arith.constant 0 : i32
      %dma_wait3A_84 = tpu.memref_slice %arg3[%dma_wait3A_82, %dma_wait3A_83] : memref<100000x32xf32, #tpu.memory_space<hbm>> -> memref<100000x32xf32, #tpu.memory_space<hbm>>
      tpu.wait_indirect_dma semaphore(%arg19 : memref<!tpu.dma_semaphore, #tpu.memory_space<semaphore_mem>>) src(%dma_wait3A_84 : memref<100000x32xf32, #tpu.memory_space<hbm>>) dst(%arg17 : memref<200x32xf32, #tpu.memory_space<vmem>>)
      %gt3A_85 = arith.constant 0 : i32
      %gt3A_86 = arith.cmpi sgt, %add3A_37, %gt3A_85 : i32
      %convert_element_type3A_87 = arith.extui %gt3A_86 : i1 to i32
      %cond3A_88 = arith.constant 0 : i32
      %cond3A_89 = arith.cmpi ne, %convert_element_type3A_87, %cond3A_88 : i32
      scf.if %cond3A_89 {
        %sub3A = arith.constant 400 : i32
        %sub3A_110 = arith.subi %add3A_78, %sub3A : i32
        %dma_wait3A_111 = arith.constant 0 : i32
        %dma_wait3A_112 = tpu.memref_slice %arg6[%sub3A_110, %dma_wait3A_111] : memref<1600000x32xf32, #tpu.memory_space<hbm>> -> memref<200x32xf32, #tpu.memory_space<hbm>>
        %dma_wait3A_113 = arith.constant 0 : i32
        %dma_wait3A_114 = tpu.memref_slice %arg6[%sub3A_110, %dma_wait3A_113] : memref<1600000x32xf32, #tpu.memory_space<hbm>> -> memref<200x32xf32, #tpu.memory_space<hbm>>
        tpu.wait_dma2 semaphore(%arg20 : memref<!tpu.dma_semaphore, #tpu.memory_space<semaphore_mem>>) src(%arg18 : memref<200x32xf32, #tpu.memory_space<vmem>>) dst(%dma_wait3A_114 : memref<200x32xf32, #tpu.memory_space<hbm>>)
      } else {
      }
      %scan3A_90 = arith.constant 0 : i32
      %scan3A_91 = arith.constant 200 : i32
      %scan3A_92 = arith.addi %scan3A_90, %scan3A_91 : i32
      %scan3A_93 = arith.constant 1 : i32
      scf.for %scan3A_110 = %scan3A_90 to %scan3A_92 step %scan3A_93  : i32 {
        %mul3A_111 = arith.constant 1 : i32
        %mul3A_112 = arith.muli %scan3A_110, %mul3A_111 : i32
        %add3A_113 = arith.constant 0 : i32
        %add3A_114 = arith.addi %add3A_113, %mul3A_112 : i32
        %get3A = arith.index_cast %add3A_114 : i32 to index
        %get3A_115 = arith.constant 0 : index
        %get3A_116 = tpu.vector_load %arg16[%get3A, %get3A_115] {strides = array<i32>} : memref<200x32xf32, #tpu.memory_space<vmem>>, vector<1x16xf32>,
        %get3A_117 = vector.shape_cast %get3A_116 : vector<1x16xf32> to vector<1x16xf32>
        %get3A_118 = arith.index_cast %add3A_114 : i32 to index
        %get3A_119 = arith.constant 0 : index
        %get3A_120 = tpu.vector_load %arg17[%get3A_118, %get3A_119] {strides = array<i32>} : memref<200x32xf32, #tpu.memory_space<vmem>>, vector<1x16xf32>,
        %get3A_121 = vector.shape_cast %get3A_120 : vector<1x16xf32> to vector<1x16xf32>
        %add3A_122 = arith.addf %get3A_117, %get3A_121 : vector<1x16xf32>
        %swap3A = arith.index_cast %add3A_114 : i32 to index
        %swap3A_123 = arith.constant 0 : index
        %swap3A_124 = tpu.vector_load %arg18[%swap3A, %swap3A_123] {strides = array<i32>} : memref<200x32xf32, #tpu.memory_space<vmem>>, vector<1x16xf32>,
        %swap3A_125 = vector.shape_cast %swap3A_124 : vector<1x16xf32> to vector<1x16xf32>
        %swap3A_126 = vector.shape_cast %add3A_122 : vector<1x16xf32> to vector<1x16xf32>
        tpu.vector_store %arg18[%swap3A, %swap3A_123], %swap3A_126 {strides = array<i32>} : memref<200x32xf32, #tpu.memory_space<vmem>>, vector<1x16xf32>,
        %get3A_127 = arith.index_cast %add3A_114 : i32 to index
        %get3A_128 = arith.constant 16 : index
        %get3A_129 = tpu.vector_load %arg16[%get3A_127, %get3A_128] {strides = array<i32>} : memref<200x32xf32, #tpu.memory_space<vmem>>, vector<1x16xf32>,
        %get3A_130 = vector.shape_cast %get3A_129 : vector<1x16xf32> to vector<1x16xf32>
        %get3A_131 = arith.index_cast %add3A_114 : i32 to index
        %get3A_132 = arith.constant 16 : index
        %get3A_133 = tpu.vector_load %arg17[%get3A_131, %get3A_132] {strides = array<i32>} : memref<200x32xf32, #tpu.memory_space<vmem>>, vector<1x16xf32>,
        %get3A_134 = vector.shape_cast %get3A_133 : vector<1x16xf32> to vector<1x16xf32>
        %add3A_135 = arith.addf %get3A_130, %get3A_134 : vector<1x16xf32>
        %swap3A_136 = arith.index_cast %add3A_114 : i32 to index
        %swap3A_137 = arith.constant 16 : index
        %swap3A_138 = tpu.vector_load %arg18[%swap3A_136, %swap3A_137] {strides = array<i32>} : memref<200x32xf32, #tpu.memory_space<vmem>>, vector<1x16xf32>,
        %swap3A_139 = vector.shape_cast %swap3A_138 : vector<1x16xf32> to vector<1x16xf32>
        %swap3A_140 = vector.shape_cast %add3A_135 : vector<1x16xf32> to vector<1x16xf32>
        tpu.vector_store %arg18[%swap3A_136, %swap3A_137], %swap3A_140 {strides = array<i32>} : memref<200x32xf32, #tpu.memory_space<vmem>>, vector<1x16xf32>,
      }
      %scan3A_94 = arith.constant 200 : i32
      %dma_start3A_95 = arith.constant 0 : i32
      %dma_start3A_96 = tpu.memref_slice %arg6[%add3A_78, %dma_start3A_95] : memref<1600000x32xf32, #tpu.memory_space<hbm>> -> memref<200x32xf32, #tpu.memory_space<hbm>>
      %dma_start3A_97 = arith.constant 0 : i32
      %dma_start3A_98 = tpu.memref_slice %arg6[%add3A_78, %dma_start3A_97] : memref<1600000x32xf32, #tpu.memory_space<hbm>> -> memref<200x32xf32, #tpu.memory_space<hbm>>
      tpu.enqueue_dma source(%arg18 : memref<200x32xf32, #tpu.memory_space<vmem>>) target(%dma_start3A_98 : memref<200x32xf32, #tpu.memory_space<hbm>>) target_semaphore(%arg20 : memref<!tpu.dma_semaphore, #tpu.memory_space<semaphore_mem>>)
      %mul3A_99 = arith.constant 2 : i32
      %mul3A_100 = arith.muli %add3A_37, %mul3A_99 : i32
      %add3A_101 = arith.constant 1 : i32
      %add3A_102 = arith.addi %mul3A_100, %add3A_101 : i32
      %add3A_103 = arith.constant 2 : i32
      %add3A_104 = arith.addi %add3A_102, %add3A_103 : i32
      %lt3A_105 = arith.constant 250 : i32
      %lt3A_106 = arith.cmpi slt, %add3A_104, %lt3A_105 : i32
      %convert_element_type3A_107 = arith.extui %lt3A_106 : i1 to i32
      %cond3A_108 = arith.constant 0 : i32
      %cond3A_109 = arith.cmpi ne, %convert_element_type3A_107, %cond3A_108 : i32
      scf.if %cond3A_109 {
        %add3A_110 = arith.constant 400 : i32
        %add3A_111 = arith.addi %add3A_78, %add3A_110 : i32
        "tpu.region"() ({
          %run_scoped3A = tpu.sem_alloc : memref<!tpu.dma_semaphore, #tpu.memory_space<semaphore_mem>>
          %dma_start3A_118 = tpu.memref_slice %arg4[%add3A_111] : memref<1600000xi32, #tpu.memory_space<hbm>> -> memref<200xi32, #tpu.memory_space<hbm>>
          %dma_start3A_119 = tpu.memref_slice %arg4[%add3A_111] : memref<1600000xi32, #tpu.memory_space<hbm>> -> memref<200xi32, #tpu.memory_space<hbm>>
          tpu.enqueue_dma source(%dma_start3A_119 : memref<200xi32, #tpu.memory_space<hbm>>) target(%arg14 : memref<200xi32, #tpu.memory_space<vmem>>) target_semaphore(%run_scoped3A : memref<!tpu.dma_semaphore, #tpu.memory_space<semaphore_mem>>)
          %dma_wait3A_120 = tpu.memref_slice %arg4[%add3A_111] : memref<1600000xi32, #tpu.memory_space<hbm>> -> memref<200xi32, #tpu.memory_space<hbm>>
          %dma_wait3A_121 = tpu.memref_slice %arg4[%add3A_111] : memref<1600000xi32, #tpu.memory_space<hbm>> -> memref<200xi32, #tpu.memory_space<hbm>>
          tpu.wait_dma2 semaphore(%run_scoped3A : memref<!tpu.dma_semaphore, #tpu.memory_space<semaphore_mem>>) src(%dma_wait3A_121 : memref<200xi32, #tpu.memory_space<hbm>>) dst(%arg14 : memref<200xi32, #tpu.memory_space<vmem>>)
          tpu.yield
        }) : () -> ()
        "tpu.region"() ({
          %run_scoped3A = tpu.sem_alloc : memref<!tpu.dma_semaphore, #tpu.memory_space<semaphore_mem>>
          %dma_start3A_118 = tpu.memref_slice %arg5[%add3A_111] : memref<1600000xi32, #tpu.memory_space<hbm>> -> memref<200xi32, #tpu.memory_space<hbm>>
          %dma_start3A_119 = tpu.memref_slice %arg5[%add3A_111] : memref<1600000xi32, #tpu.memory_space<hbm>> -> memref<200xi32, #tpu.memory_space<hbm>>
          tpu.enqueue_dma source(%dma_start3A_119 : memref<200xi32, #tpu.memory_space<hbm>>) target(%arg15 : memref<200xi32, #tpu.memory_space<vmem>>) target_semaphore(%run_scoped3A : memref<!tpu.dma_semaphore, #tpu.memory_space<semaphore_mem>>)
          %dma_wait3A_120 = tpu.memref_slice %arg5[%add3A_111] : memref<1600000xi32, #tpu.memory_space<hbm>> -> memref<200xi32, #tpu.memory_space<hbm>>
          %dma_wait3A_121 = tpu.memref_slice %arg5[%add3A_111] : memref<1600000xi32, #tpu.memory_space<hbm>> -> memref<200xi32, #tpu.memory_space<hbm>>
          tpu.wait_dma2 semaphore(%run_scoped3A : memref<!tpu.dma_semaphore, #tpu.memory_space<semaphore_mem>>) src(%dma_wait3A_121 : memref<200xi32, #tpu.memory_space<hbm>>) dst(%arg15 : memref<200xi32, #tpu.memory_space<vmem>>)
          tpu.yield
        }) : () -> ()
        %dma_start3A_112 = arith.constant 0 : i32
        %dma_start3A_113 = arith.constant 0 : i32
        %dma_start3A_114 = tpu.memref_slice %arg2[%dma_start3A_112, %dma_start3A_113] : memref<100000x32xf32, #tpu.memory_space<hbm>> -> memref<100000x32xf32, #tpu.memory_space<hbm>>
        tpu.enqueue_indirect_dma source(%dma_start3A_114 : memref<100000x32xf32, #tpu.memory_space<hbm>>) target(%arg16 : memref<200x32xf32, #tpu.memory_space<vmem>>) offsets(%arg14 : memref<200xi32, #tpu.memory_space<vmem>>) semaphore(%arg19 : memref<!tpu.dma_semaphore, #tpu.memory_space<semaphore_mem>>)
        %dma_start3A_115 = arith.constant 0 : i32
        %dma_start3A_116 = arith.constant 0 : i32
        %dma_start3A_117 = tpu.memref_slice %arg3[%dma_start3A_115, %dma_start3A_116] : memref<100000x32xf32, #tpu.memory_space<hbm>> -> memref<100000x32xf32, #tpu.memory_space<hbm>>
        tpu.enqueue_indirect_dma source(%dma_start3A_117 : memref<100000x32xf32, #tpu.memory_space<hbm>>) target(%arg17 : memref<200x32xf32, #tpu.memory_space<vmem>>) offsets(%arg15 : memref<200xi32, #tpu.memory_space<vmem>>) semaphore(%arg19 : memref<!tpu.dma_semaphore, #tpu.memory_space<semaphore_mem>>)
      } else {
      }
    }
    %scan3A_21 = arith.constant 125 : i32
    %add3A_22 = arith.constant 49600 : i32
    %add3A_23 = arith.addi %mul3A_2, %add3A_22 : i32
    %dma_wait3A = arith.constant 0 : i32
    %dma_wait3A_24 = tpu.memref_slice %arg6[%add3A_23, %dma_wait3A] : memref<1600000x32xf32, #tpu.memory_space<hbm>> -> memref<200x32xf32, #tpu.memory_space<hbm>>
    %dma_wait3A_25 = arith.constant 0 : i32
    %dma_wait3A_26 = tpu.memref_slice %arg6[%add3A_23, %dma_wait3A_25] : memref<1600000x32xf32, #tpu.memory_space<hbm>> -> memref<200x32xf32, #tpu.memory_space<hbm>>
    tpu.wait_dma2 semaphore(%arg13 : memref<!tpu.dma_semaphore, #tpu.memory_space<semaphore_mem>>) src(%arg11 : memref<200x32xf32, #tpu.memory_space<vmem>>) dst(%dma_wait3A_26 : memref<200x32xf32, #tpu.memory_space<hbm>>)
    %add3A_27 = arith.constant 49800 : i32
    %add3A_28 = arith.addi %mul3A_2, %add3A_27 : i32
    %dma_wait3A_29 = arith.constant 0 : i32
    %dma_wait3A_30 = tpu.memref_slice %arg6[%add3A_28, %dma_wait3A_29] : memref<1600000x32xf32, #tpu.memory_space<hbm>> -> memref<200x32xf32, #tpu.memory_space<hbm>>
    %dma_wait3A_31 = arith.constant 0 : i32
    %dma_wait3A_32 = tpu.memref_slice %arg6[%add3A_28, %dma_wait3A_31] : memref<1600000x32xf32, #tpu.memory_space<hbm>> -> memref<200x32xf32, #tpu.memory_space<hbm>>
    tpu.wait_dma2 semaphore(%arg20 : memref<!tpu.dma_semaphore, #tpu.memory_space<semaphore_mem>>) src(%arg18 : memref<200x32xf32, #tpu.memory_space<vmem>>) dst(%dma_wait3A_32 : memref<200x32xf32, #tpu.memory_space<hbm>>)
    return
  }
}

module attributes {stable_mosaic.version = 14 : i64} {
  func.func @body(%arg0: i32, %arg1: memref<5000x128xf32, #tpu.memory_space<vmem>>, %arg2: memref<128x128xf32, #tpu.memory_space<vmem>>, %arg3: memref<128x128xf32, #tpu.memory_space<vmem>>, %arg4: memref<5000x128xf32, #tpu.memory_space<vmem>>, %arg5: memref<5000x128xf32, #tpu.memory_space<vmem>>) attributes {dimension_semantics = [#tpu.dimension_semantics<arbitrary>], iteration_bounds = array<i64: 5>, scalar_prefetch = 0 : i64, scratch_operands = 0 : i64, tpu.core_type = #tpu.core_type<tc>, window_params = [{transform_indices = @transform_0, window_bounds = array<i64: 5000, 128>}, {pipeline_mode = #tpu.pipeline_mode<synchronous>, transform_indices = @transform_1, window_bounds = array<i64: 128, 128>}, {pipeline_mode = #tpu.pipeline_mode<synchronous>, transform_indices = @transform_2, window_bounds = array<i64: 128, 128>}, {transform_indices = @transform_3, window_bounds = array<i64: 5000, 128>}, {transform_indices = @transform_4, window_bounds = array<i64: 5000, 128>}]} {
    %get3A = arith.constant 0 : index
    %get3A_0 = arith.constant 0 : index
    %get3A_1 = vector.load %arg1[%get3A, %get3A_0] : memref<5000x128xf32, #tpu.memory_space<vmem>>, vector<5000x128xf32>
    %get3A_2 = arith.constant 0 : index
    %get3A_3 = arith.constant 0 : index
    %get3A_4 = vector.load %arg2[%get3A_2, %get3A_3] : memref<128x128xf32, #tpu.memory_space<vmem>>, vector<128x128xf32>
    %dot_general3A = arith.constant dense<0.000000e+00> : vector<5000x128xf32>
    %dot_general3A_5 = tpu.matmul %get3A_1, %get3A_4, %dot_general3A {dimension_numbers = #tpu.dot_dimension_numbers<[1], [0], [0], [1], [0, 0, 1, 1], [], []>, transpose_lhs_hint = false} : vector<5000x128xf32>, vector<128x128xf32>, vector<5000x128xf32> -> vector<5000x128xf32>
    %swap3A = arith.constant 0 : index
    %swap3A_6 = arith.constant 0 : index
    %swap3A_7 = vector.load %arg4[%swap3A, %swap3A_6] : memref<5000x128xf32, #tpu.memory_space<vmem>>, vector<5000x128xf32>
    tpu.vector_store %arg4[%swap3A, %swap3A_6], %dot_general3A_5 {strides = array<i32>} : memref<5000x128xf32, #tpu.memory_space<vmem>>, vector<5000x128xf32>,
    %get3A_8 = arith.constant 0 : index
    %get3A_9 = arith.constant 0 : index
    %get3A_10 = vector.load %arg3[%get3A_8, %get3A_9] : memref<128x128xf32, #tpu.memory_space<vmem>>, vector<128x128xf32>
    %dot_general3A_11 = arith.constant dense<0.000000e+00> : vector<5000x128xf32>
    %dot_general3A_12 = tpu.matmul %get3A_1, %get3A_10, %dot_general3A_11 {dimension_numbers = #tpu.dot_dimension_numbers<[1], [0], [0], [1], [0, 0, 1, 1], [], []>, transpose_lhs_hint = false} : vector<5000x128xf32>, vector<128x128xf32>, vector<5000x128xf32> -> vector<5000x128xf32>
    %swap3A_13 = arith.constant 0 : index
    %swap3A_14 = arith.constant 0 : index
    %swap3A_15 = vector.load %arg5[%swap3A_13, %swap3A_14] : memref<5000x128xf32, #tpu.memory_space<vmem>>, vector<5000x128xf32>
    tpu.vector_store %arg5[%swap3A_13, %swap3A_14], %dot_general3A_12 {strides = array<i32>} : memref<5000x128xf32, #tpu.memory_space<vmem>>, vector<5000x128xf32>,
    return
  }
  func.func @transform_0(%arg0: i32) -> (i32, i32) {
    %c0_i32 = arith.constant 0 : i32
    %c0_i32_0 = arith.constant 0 : i32
    return %arg0, %c0_i32 : i32, i32
  }
  func.func @transform_1(%arg0: i32) -> (i32, i32) {
    %c0_i32 = arith.constant 0 : i32
    %c0_i32_0 = arith.constant 0 : i32
    %c0_i32_1 = arith.constant 0 : i32
    return %c0_i32, %c0_i32_0 : i32, i32
  }
  func.func @transform_2(%arg0: i32) -> (i32, i32) {
    %c0_i32 = arith.constant 0 : i32
    %c0_i32_0 = arith.constant 0 : i32
    %c0_i32_1 = arith.constant 0 : i32
    return %c0_i32, %c0_i32_0 : i32, i32
  }
  func.func @transform_3(%arg0: i32) -> (i32, i32) {
    %c0_i32 = arith.constant 0 : i32
    %c0_i32_0 = arith.constant 0 : i32
    return %arg0, %c0_i32 : i32, i32
  }
  func.func @transform_4(%arg0: i32) -> (i32, i32) {
    %c0_i32 = arith.constant 0 : i32
    %c0_i32_0 = arith.constant 0 : i32
    return %arg0, %c0_i32 : i32, i32
  }
}

module attributes {stable_mosaic.version = 14 : i64} {
  func.func @body(%arg0: i32, %arg1: memref<2000x128xf32, #tpu.memory_space<vmem>>, %arg2: memref<2000x128xf32, #tpu.memory_space<vmem>>, %arg3: memref<128x128xf32, #tpu.memory_space<vmem>>, %arg4: memref<1x128xf32, #tpu.memory_space<vmem>>, %arg5: memref<128x128xf32, #tpu.memory_space<vmem>>, %arg6: memref<1x128xf32, #tpu.memory_space<vmem>>, %arg7: memref<128x128xf32, #tpu.memory_space<vmem>>, %arg8: memref<1x128xf32, #tpu.memory_space<vmem>>, %arg9: memref<128x128xf32, #tpu.memory_space<vmem>>, %arg10: memref<1x128xf32, #tpu.memory_space<vmem>>, %arg11: memref<1x128xf32, #tpu.memory_space<vmem>>, %arg12: memref<1x128xf32, #tpu.memory_space<vmem>>, %arg13: memref<128x128xf32, #tpu.memory_space<vmem>>, %arg14: memref<128x128xf32, #tpu.memory_space<vmem>>, %arg15: memref<2000x128xf32, #tpu.memory_space<vmem>>, %arg16: memref<2000x128xf32, #tpu.memory_space<vmem>>) attributes {dimension_semantics = [#tpu.dimension_semantics<arbitrary>], iteration_bounds = array<i64: 200>, scalar_prefetch = 0 : i64, scratch_operands = 0 : i64, tpu.core_type = #tpu.core_type<tc>, window_params = [{transform_indices = @transform_0, window_bounds = array<i64: 2000, 128>}, {transform_indices = @transform_1, window_bounds = array<i64: 2000, 128>}, {pipeline_mode = #tpu.pipeline_mode<synchronous>, transform_indices = @transform_2, window_bounds = array<i64: 128, 128>}, {pipeline_mode = #tpu.pipeline_mode<synchronous>, transform_indices = @transform_3, window_bounds = array<i64: 1, 128>}, {pipeline_mode = #tpu.pipeline_mode<synchronous>, transform_indices = @transform_4, window_bounds = array<i64: 128, 128>}, {pipeline_mode = #tpu.pipeline_mode<synchronous>, transform_indices = @transform_5, window_bounds = array<i64: 1, 128>}, {pipeline_mode = #tpu.pipeline_mode<synchronous>, transform_indices = @transform_6, window_bounds = array<i64: 128, 128>}, {pipeline_mode = #tpu.pipeline_mode<synchronous>, transform_indices = @transform_7, window_bounds = array<i64: 1, 128>}, {pipeline_mode = #tpu.pipeline_mode<synchronous>, transform_indices = @transform_8, window_bounds = array<i64: 128, 128>}, {pipeline_mode = #tpu.pipeline_mode<synchronous>, transform_indices = @transform_9, window_bounds = array<i64: 1, 128>}, {pipeline_mode = #tpu.pipeline_mode<synchronous>, transform_indices = @transform_10, window_bounds = array<i64: 1, 128>}, {pipeline_mode = #tpu.pipeline_mode<synchronous>, transform_indices = @transform_11, window_bounds = array<i64: 1, 128>}, {pipeline_mode = #tpu.pipeline_mode<synchronous>, transform_indices = @transform_12, window_bounds = array<i64: 128, 128>}, {pipeline_mode = #tpu.pipeline_mode<synchronous>, transform_indices = @transform_13, window_bounds = array<i64: 128, 128>}, {transform_indices = @transform_14, window_bounds = array<i64: 2000, 128>}, {transform_indices = @transform_15, window_bounds = array<i64: 2000, 128>}]} {
    %get3A = arith.constant 0 : index
    %get3A_0 = arith.constant 0 : index
    %get3A_1 = vector.load %arg2[%get3A, %get3A_0] : memref<2000x128xf32, #tpu.memory_space<vmem>>, vector<2000x128xf32>
    %get3A_2 = arith.constant 0 : index
    %get3A_3 = arith.constant 0 : index
    %get3A_4 = vector.load %arg1[%get3A_2, %get3A_3] : memref<2000x128xf32, #tpu.memory_space<vmem>>, vector<2000x128xf32>
    %get3A_5 = arith.constant 0 : index
    %get3A_6 = arith.constant 0 : index
    %get3A_7 = vector.load %arg3[%get3A_5, %get3A_6] : memref<128x128xf32, #tpu.memory_space<vmem>>, vector<128x128xf32>
    %dot_general3A = arith.constant dense<0.000000e+00> : vector<2000x128xf32>
    %dot_general3A_8 = tpu.matmul %get3A_1, %get3A_7, %dot_general3A {dimension_numbers = #tpu.dot_dimension_numbers<[1], [0], [0], [1], [0, 0, 1, 1], [], []>, transpose_lhs_hint = false} : vector<2000x128xf32>, vector<128x128xf32>, vector<2000x128xf32> -> vector<2000x128xf32>
    %add3A = arith.addf %get3A_4, %dot_general3A_8 : vector<2000x128xf32>
    %get3A_9 = arith.constant 0 : index
    %get3A_10 = arith.constant 0 : index
    %get3A_11 = vector.load %arg4[%get3A_9, %get3A_10] : memref<1x128xf32, #tpu.memory_space<vmem>>, vector<1x128xf32>
    %add3A_12 = vector.broadcast %get3A_11 : vector<1x128xf32> to vector<2000x128xf32>
    %add3A_13 = arith.addf %add3A, %add3A_12 : vector<2000x128xf32>
    %max3A = arith.constant 0.000000e+00 : f32
    %max3A_14 = vector.broadcast %max3A : f32 to vector<2000x128xf32>
    %max3A_15 = arith.maximumf %add3A_13, %max3A_14 : vector<2000x128xf32>
    %get3A_16 = arith.constant 0 : index
    %get3A_17 = arith.constant 0 : index
    %get3A_18 = vector.load %arg5[%get3A_16, %get3A_17] : memref<128x128xf32, #tpu.memory_space<vmem>>, vector<128x128xf32>
    %dot_general3A_19 = arith.constant dense<0.000000e+00> : vector<2000x128xf32>
    %dot_general3A_20 = tpu.matmul %max3A_15, %get3A_18, %dot_general3A_19 {dimension_numbers = #tpu.dot_dimension_numbers<[1], [0], [0], [1], [0, 0, 1, 1], [], []>, transpose_lhs_hint = false} : vector<2000x128xf32>, vector<128x128xf32>, vector<2000x128xf32> -> vector<2000x128xf32>
    %get3A_21 = arith.constant 0 : index
    %get3A_22 = arith.constant 0 : index
    %get3A_23 = vector.load %arg6[%get3A_21, %get3A_22] : memref<1x128xf32, #tpu.memory_space<vmem>>, vector<1x128xf32>
    %add3A_24 = vector.broadcast %get3A_23 : vector<1x128xf32> to vector<2000x128xf32>
    %add3A_25 = arith.addf %dot_general3A_20, %add3A_24 : vector<2000x128xf32>
    %max3A_26 = arith.constant 0.000000e+00 : f32
    %max3A_27 = vector.broadcast %max3A_26 : f32 to vector<2000x128xf32>
    %max3A_28 = arith.maximumf %add3A_25, %max3A_27 : vector<2000x128xf32>
    %get3A_29 = arith.constant 0 : index
    %get3A_30 = arith.constant 0 : index
    %get3A_31 = vector.load %arg7[%get3A_29, %get3A_30] : memref<128x128xf32, #tpu.memory_space<vmem>>, vector<128x128xf32>
    %dot_general3A_32 = arith.constant dense<0.000000e+00> : vector<2000x128xf32>
    %dot_general3A_33 = tpu.matmul %max3A_28, %get3A_31, %dot_general3A_32 {dimension_numbers = #tpu.dot_dimension_numbers<[1], [0], [0], [1], [0, 0, 1, 1], [], []>, transpose_lhs_hint = false} : vector<2000x128xf32>, vector<128x128xf32>, vector<2000x128xf32> -> vector<2000x128xf32>
    %get3A_34 = arith.constant 0 : index
    %get3A_35 = arith.constant 0 : index
    %get3A_36 = vector.load %arg8[%get3A_34, %get3A_35] : memref<1x128xf32, #tpu.memory_space<vmem>>, vector<1x128xf32>
    %add3A_37 = vector.broadcast %get3A_36 : vector<1x128xf32> to vector<2000x128xf32>
    %add3A_38 = arith.addf %dot_general3A_33, %add3A_37 : vector<2000x128xf32>
    %max3A_39 = arith.constant 0.000000e+00 : f32
    %max3A_40 = vector.broadcast %max3A_39 : f32 to vector<2000x128xf32>
    %max3A_41 = arith.maximumf %add3A_38, %max3A_40 : vector<2000x128xf32>
    %get3A_42 = arith.constant 0 : index
    %get3A_43 = arith.constant 0 : index
    %get3A_44 = vector.load %arg9[%get3A_42, %get3A_43] : memref<128x128xf32, #tpu.memory_space<vmem>>, vector<128x128xf32>
    %dot_general3A_45 = arith.constant dense<0.000000e+00> : vector<2000x128xf32>
    %dot_general3A_46 = tpu.matmul %max3A_41, %get3A_44, %dot_general3A_45 {dimension_numbers = #tpu.dot_dimension_numbers<[1], [0], [0], [1], [0, 0, 1, 1], [], []>, transpose_lhs_hint = false} : vector<2000x128xf32>, vector<128x128xf32>, vector<2000x128xf32> -> vector<2000x128xf32>
    %get3A_47 = arith.constant 0 : index
    %get3A_48 = arith.constant 0 : index
    %get3A_49 = vector.load %arg10[%get3A_47, %get3A_48] : memref<1x128xf32, #tpu.memory_space<vmem>>, vector<1x128xf32>
    %add3A_50 = vector.broadcast %get3A_49 : vector<1x128xf32> to vector<2000x128xf32>
    %add3A_51 = arith.addf %dot_general3A_46, %add3A_50 : vector<2000x128xf32>
    %get3A_52 = arith.constant 0 : index
    %get3A_53 = arith.constant 0 : index
    %get3A_54 = vector.load %arg13[%get3A_52, %get3A_53] : memref<128x128xf32, #tpu.memory_space<vmem>>, vector<128x128xf32>
    %dot_general3A_55 = arith.constant dense<0.000000e+00> : vector<2000x128xf32>
    %dot_general3A_56 = tpu.matmul %add3A_51, %get3A_54, %dot_general3A_55 {dimension_numbers = #tpu.dot_dimension_numbers<[1], [0], [0], [1], [0, 0, 1, 1], [], []>, transpose_lhs_hint = false} : vector<2000x128xf32>, vector<128x128xf32>, vector<2000x128xf32> -> vector<2000x128xf32>
    %sub3A = arith.subf %add3A_51, %dot_general3A_56 : vector<2000x128xf32>
    %mul3A = arith.mulf %sub3A, %sub3A : vector<2000x128xf32>
    %get3A_57 = arith.constant 0 : index
    %get3A_58 = arith.constant 0 : index
    %get3A_59 = vector.load %arg13[%get3A_57, %get3A_58] : memref<128x128xf32, #tpu.memory_space<vmem>>, vector<128x128xf32>
    %dot_general3A_60 = arith.constant dense<0.000000e+00> : vector<2000x128xf32>
    %dot_general3A_61 = tpu.matmul %mul3A, %get3A_59, %dot_general3A_60 {dimension_numbers = #tpu.dot_dimension_numbers<[1], [0], [0], [1], [0, 0, 1, 1], [], []>, transpose_lhs_hint = false} : vector<2000x128xf32>, vector<128x128xf32>, vector<2000x128xf32> -> vector<2000x128xf32>
    %add3A_62 = arith.constant 9.99999974E-6 : f32
    %add3A_63 = vector.broadcast %add3A_62 : f32 to vector<2000x128xf32>
    %add3A_64 = arith.addf %dot_general3A_61, %add3A_63 : vector<2000x128xf32>
    %rsqrt3A = math.rsqrt %add3A_64 : vector<2000x128xf32>
    %mul3A_65 = arith.mulf %sub3A, %rsqrt3A : vector<2000x128xf32>
    %get3A_66 = arith.constant 0 : index
    %get3A_67 = arith.constant 0 : index
    %get3A_68 = vector.load %arg11[%get3A_66, %get3A_67] : memref<1x128xf32, #tpu.memory_space<vmem>>, vector<1x128xf32>
    %mul3A_69 = vector.broadcast %get3A_68 : vector<1x128xf32> to vector<2000x128xf32>
    %mul3A_70 = arith.mulf %mul3A_65, %mul3A_69 : vector<2000x128xf32>
    %get3A_71 = arith.constant 0 : index
    %get3A_72 = arith.constant 0 : index
    %get3A_73 = vector.load %arg12[%get3A_71, %get3A_72] : memref<1x128xf32, #tpu.memory_space<vmem>>, vector<1x128xf32>
    %add3A_74 = vector.broadcast %get3A_73 : vector<1x128xf32> to vector<2000x128xf32>
    %add3A_75 = arith.addf %mul3A_70, %add3A_74 : vector<2000x128xf32>
    %add3A_76 = arith.addf %get3A_1, %add3A_75 : vector<2000x128xf32>
    %swap3A = arith.constant 0 : index
    %swap3A_77 = arith.constant 0 : index
    %swap3A_78 = vector.load %arg15[%swap3A, %swap3A_77] : memref<2000x128xf32, #tpu.memory_space<vmem>>, vector<2000x128xf32>
    tpu.vector_store %arg15[%swap3A, %swap3A_77], %add3A_76 {strides = array<i32>} : memref<2000x128xf32, #tpu.memory_space<vmem>>, vector<2000x128xf32>,
    %get3A_79 = arith.constant 0 : index
    %get3A_80 = arith.constant 0 : index
    %get3A_81 = vector.load %arg14[%get3A_79, %get3A_80] : memref<128x128xf32, #tpu.memory_space<vmem>>, vector<128x128xf32>
    %dot_general3A_82 = arith.constant dense<0.000000e+00> : vector<2000x128xf32>
    %dot_general3A_83 = tpu.matmul %add3A_75, %get3A_81, %dot_general3A_82 {dimension_numbers = #tpu.dot_dimension_numbers<[1], [0], [0], [1], [0, 0, 1, 1], [], []>, transpose_lhs_hint = false} : vector<2000x128xf32>, vector<128x128xf32>, vector<2000x128xf32> -> vector<2000x128xf32>
    %swap3A_84 = arith.constant 0 : index
    %swap3A_85 = arith.constant 0 : index
    %swap3A_86 = vector.load %arg16[%swap3A_84, %swap3A_85] : memref<2000x128xf32, #tpu.memory_space<vmem>>, vector<2000x128xf32>
    tpu.vector_store %arg16[%swap3A_84, %swap3A_85], %dot_general3A_83 {strides = array<i32>} : memref<2000x128xf32, #tpu.memory_space<vmem>>, vector<2000x128xf32>,
    return
  }
  func.func @transform_0(%arg0: i32) -> (i32, i32) {
    %c0_i32 = arith.constant 0 : i32
    %c0_i32_0 = arith.constant 0 : i32
    return %arg0, %c0_i32 : i32, i32
  }
  func.func @transform_1(%arg0: i32) -> (i32, i32) {
    %c0_i32 = arith.constant 0 : i32
    %c0_i32_0 = arith.constant 0 : i32
    return %arg0, %c0_i32 : i32, i32
  }
  func.func @transform_2(%arg0: i32) -> (i32, i32) {
    %c0_i32 = arith.constant 0 : i32
    %c0_i32_0 = arith.constant 0 : i32
    %c0_i32_1 = arith.constant 0 : i32
    return %c0_i32, %c0_i32_0 : i32, i32
  }
  func.func @transform_3(%arg0: i32) -> (i32, i32) {
    %c0_i32 = arith.constant 0 : i32
    %c0_i32_0 = arith.constant 0 : i32
    %c0_i32_1 = arith.constant 0 : i32
    return %c0_i32, %c0_i32_0 : i32, i32
  }
  func.func @transform_4(%arg0: i32) -> (i32, i32) {
    %c0_i32 = arith.constant 0 : i32
    %c0_i32_0 = arith.constant 0 : i32
    %c0_i32_1 = arith.constant 0 : i32
    return %c0_i32, %c0_i32_0 : i32, i32
  }
  func.func @transform_5(%arg0: i32) -> (i32, i32) {
    %c0_i32 = arith.constant 0 : i32
    %c0_i32_0 = arith.constant 0 : i32
    %c0_i32_1 = arith.constant 0 : i32
    return %c0_i32, %c0_i32_0 : i32, i32
  }
  func.func @transform_6(%arg0: i32) -> (i32, i32) {
    %c0_i32 = arith.constant 0 : i32
    %c0_i32_0 = arith.constant 0 : i32
    %c0_i32_1 = arith.constant 0 : i32
    return %c0_i32, %c0_i32_0 : i32, i32
  }
  func.func @transform_7(%arg0: i32) -> (i32, i32) {
    %c0_i32 = arith.constant 0 : i32
    %c0_i32_0 = arith.constant 0 : i32
    %c0_i32_1 = arith.constant 0 : i32
    return %c0_i32, %c0_i32_0 : i32, i32
  }
  func.func @transform_8(%arg0: i32) -> (i32, i32) {
    %c0_i32 = arith.constant 0 : i32
    %c0_i32_0 = arith.constant 0 : i32
    %c0_i32_1 = arith.constant 0 : i32
    return %c0_i32, %c0_i32_0 : i32, i32
  }
  func.func @transform_9(%arg0: i32) -> (i32, i32) {
    %c0_i32 = arith.constant 0 : i32
    %c0_i32_0 = arith.constant 0 : i32
    %c0_i32_1 = arith.constant 0 : i32
    return %c0_i32, %c0_i32_0 : i32, i32
  }
  func.func @transform_10(%arg0: i32) -> (i32, i32) {
    %c0_i32 = arith.constant 0 : i32
    %c0_i32_0 = arith.constant 0 : i32
    %c0_i32_1 = arith.constant 0 : i32
    return %c0_i32, %c0_i32_0 : i32, i32
  }
  func.func @transform_11(%arg0: i32) -> (i32, i32) {
    %c0_i32 = arith.constant 0 : i32
    %c0_i32_0 = arith.constant 0 : i32
    %c0_i32_1 = arith.constant 0 : i32
    return %c0_i32, %c0_i32_0 : i32, i32
  }
  func.func @transform_12(%arg0: i32) -> (i32, i32) {
    %c0_i32 = arith.constant 0 : i32
    %c0_i32_0 = arith.constant 0 : i32
    %c0_i32_1 = arith.constant 0 : i32
    return %c0_i32, %c0_i32_0 : i32, i32
  }
  func.func @transform_13(%arg0: i32) -> (i32, i32) {
    %c0_i32 = arith.constant 0 : i32
    %c0_i32_0 = arith.constant 0 : i32
    %c0_i32_1 = arith.constant 0 : i32
    return %c0_i32, %c0_i32_0 : i32, i32
  }
  func.func @transform_14(%arg0: i32) -> (i32, i32) {
    %c0_i32 = arith.constant 0 : i32
    %c0_i32_0 = arith.constant 0 : i32
    return %arg0, %c0_i32 : i32, i32
  }
  func.func @transform_15(%arg0: i32) -> (i32, i32) {
    %c0_i32 = arith.constant 0 : i32
    %c0_i32_0 = arith.constant 0 : i32
    return %arg0, %c0_i32 : i32, i32
  }
}

module attributes {stable_mosaic.version = 14 : i64} {
  func.func @body(%arg0: i32, %arg1: memref<1000x128xf32, #tpu.memory_space<vmem>>, %arg2: memref<1000x128xf32, #tpu.memory_space<vmem>>, %arg3: memref<128x128xf32, #tpu.memory_space<vmem>>, %arg4: memref<1x128xf32, #tpu.memory_space<vmem>>, %arg5: memref<128x128xf32, #tpu.memory_space<vmem>>, %arg6: memref<1x128xf32, #tpu.memory_space<vmem>>, %arg7: memref<128x128xf32, #tpu.memory_space<vmem>>, %arg8: memref<1x128xf32, #tpu.memory_space<vmem>>, %arg9: memref<128x128xf32, #tpu.memory_space<vmem>>, %arg10: memref<1x128xf32, #tpu.memory_space<vmem>>, %arg11: memref<1x128xf32, #tpu.memory_space<vmem>>, %arg12: memref<1x128xf32, #tpu.memory_space<vmem>>, %arg13: memref<128x128xf32, #tpu.memory_space<vmem>>, %arg14: memref<1000x128xf32, #tpu.memory_space<vmem>>) attributes {dimension_semantics = [#tpu.dimension_semantics<arbitrary>], iteration_bounds = array<i64: 25>, scalar_prefetch = 0 : i64, scratch_operands = 0 : i64, tpu.core_type = #tpu.core_type<tc>, window_params = [{transform_indices = @transform_0, window_bounds = array<i64: 1000, 128>}, {transform_indices = @transform_1, window_bounds = array<i64: 1000, 128>}, {pipeline_mode = #tpu.pipeline_mode<synchronous>, transform_indices = @transform_2, window_bounds = array<i64: 128, 128>}, {pipeline_mode = #tpu.pipeline_mode<synchronous>, transform_indices = @transform_3, window_bounds = array<i64: 1, 128>}, {pipeline_mode = #tpu.pipeline_mode<synchronous>, transform_indices = @transform_4, window_bounds = array<i64: 128, 128>}, {pipeline_mode = #tpu.pipeline_mode<synchronous>, transform_indices = @transform_5, window_bounds = array<i64: 1, 128>}, {pipeline_mode = #tpu.pipeline_mode<synchronous>, transform_indices = @transform_6, window_bounds = array<i64: 128, 128>}, {pipeline_mode = #tpu.pipeline_mode<synchronous>, transform_indices = @transform_7, window_bounds = array<i64: 1, 128>}, {pipeline_mode = #tpu.pipeline_mode<synchronous>, transform_indices = @transform_8, window_bounds = array<i64: 128, 128>}, {pipeline_mode = #tpu.pipeline_mode<synchronous>, transform_indices = @transform_9, window_bounds = array<i64: 1, 128>}, {pipeline_mode = #tpu.pipeline_mode<synchronous>, transform_indices = @transform_10, window_bounds = array<i64: 1, 128>}, {pipeline_mode = #tpu.pipeline_mode<synchronous>, transform_indices = @transform_11, window_bounds = array<i64: 1, 128>}, {pipeline_mode = #tpu.pipeline_mode<synchronous>, transform_indices = @transform_12, window_bounds = array<i64: 128, 128>}, {transform_indices = @transform_13, window_bounds = array<i64: 1000, 128>}]} {
    %get3A = arith.constant 0 : index
    %get3A_0 = arith.constant 0 : index
    %get3A_1 = vector.load %arg1[%get3A, %get3A_0] : memref<1000x128xf32, #tpu.memory_space<vmem>>, vector<1000x128xf32>
    %get3A_2 = arith.constant 0 : index
    %get3A_3 = arith.constant 0 : index
    %get3A_4 = vector.load %arg3[%get3A_2, %get3A_3] : memref<128x128xf32, #tpu.memory_space<vmem>>, vector<128x128xf32>
    %dot_general3A = arith.constant dense<0.000000e+00> : vector<1000x128xf32>
    %dot_general3A_5 = tpu.matmul %get3A_1, %get3A_4, %dot_general3A {dimension_numbers = #tpu.dot_dimension_numbers<[1], [0], [0], [1], [0, 0, 1, 1], [], []>, transpose_lhs_hint = false} : vector<1000x128xf32>, vector<128x128xf32>, vector<1000x128xf32> -> vector<1000x128xf32>
    %get3A_6 = arith.constant 0 : index
    %get3A_7 = arith.constant 0 : index
    %get3A_8 = vector.load %arg2[%get3A_6, %get3A_7] : memref<1000x128xf32, #tpu.memory_space<vmem>>, vector<1000x128xf32>
    %add3A = arith.addf %dot_general3A_5, %get3A_8 : vector<1000x128xf32>
    %get3A_9 = arith.constant 0 : index
    %get3A_10 = arith.constant 0 : index
    %get3A_11 = vector.load %arg4[%get3A_9, %get3A_10] : memref<1x128xf32, #tpu.memory_space<vmem>>, vector<1x128xf32>
    %add3A_12 = vector.broadcast %get3A_11 : vector<1x128xf32> to vector<1000x128xf32>
    %add3A_13 = arith.addf %add3A, %add3A_12 : vector<1000x128xf32>
    %max3A = arith.constant 0.000000e+00 : f32
    %max3A_14 = vector.broadcast %max3A : f32 to vector<1000x128xf32>
    %max3A_15 = arith.maximumf %add3A_13, %max3A_14 : vector<1000x128xf32>
    %get3A_16 = arith.constant 0 : index
    %get3A_17 = arith.constant 0 : index
    %get3A_18 = vector.load %arg5[%get3A_16, %get3A_17] : memref<128x128xf32, #tpu.memory_space<vmem>>, vector<128x128xf32>
    %dot_general3A_19 = arith.constant dense<0.000000e+00> : vector<1000x128xf32>
    %dot_general3A_20 = tpu.matmul %max3A_15, %get3A_18, %dot_general3A_19 {dimension_numbers = #tpu.dot_dimension_numbers<[1], [0], [0], [1], [0, 0, 1, 1], [], []>, transpose_lhs_hint = false} : vector<1000x128xf32>, vector<128x128xf32>, vector<1000x128xf32> -> vector<1000x128xf32>
    %get3A_21 = arith.constant 0 : index
    %get3A_22 = arith.constant 0 : index
    %get3A_23 = vector.load %arg6[%get3A_21, %get3A_22] : memref<1x128xf32, #tpu.memory_space<vmem>>, vector<1x128xf32>
    %add3A_24 = vector.broadcast %get3A_23 : vector<1x128xf32> to vector<1000x128xf32>
    %add3A_25 = arith.addf %dot_general3A_20, %add3A_24 : vector<1000x128xf32>
    %max3A_26 = arith.constant 0.000000e+00 : f32
    %max3A_27 = vector.broadcast %max3A_26 : f32 to vector<1000x128xf32>
    %max3A_28 = arith.maximumf %add3A_25, %max3A_27 : vector<1000x128xf32>
    %get3A_29 = arith.constant 0 : index
    %get3A_30 = arith.constant 0 : index
    %get3A_31 = vector.load %arg7[%get3A_29, %get3A_30] : memref<128x128xf32, #tpu.memory_space<vmem>>, vector<128x128xf32>
    %dot_general3A_32 = arith.constant dense<0.000000e+00> : vector<1000x128xf32>
    %dot_general3A_33 = tpu.matmul %max3A_28, %get3A_31, %dot_general3A_32 {dimension_numbers = #tpu.dot_dimension_numbers<[1], [0], [0], [1], [0, 0, 1, 1], [], []>, transpose_lhs_hint = false} : vector<1000x128xf32>, vector<128x128xf32>, vector<1000x128xf32> -> vector<1000x128xf32>
    %get3A_34 = arith.constant 0 : index
    %get3A_35 = arith.constant 0 : index
    %get3A_36 = vector.load %arg8[%get3A_34, %get3A_35] : memref<1x128xf32, #tpu.memory_space<vmem>>, vector<1x128xf32>
    %add3A_37 = vector.broadcast %get3A_36 : vector<1x128xf32> to vector<1000x128xf32>
    %add3A_38 = arith.addf %dot_general3A_33, %add3A_37 : vector<1000x128xf32>
    %max3A_39 = arith.constant 0.000000e+00 : f32
    %max3A_40 = vector.broadcast %max3A_39 : f32 to vector<1000x128xf32>
    %max3A_41 = arith.maximumf %add3A_38, %max3A_40 : vector<1000x128xf32>
    %get3A_42 = arith.constant 0 : index
    %get3A_43 = arith.constant 0 : index
    %get3A_44 = vector.load %arg9[%get3A_42, %get3A_43] : memref<128x128xf32, #tpu.memory_space<vmem>>, vector<128x128xf32>
    %dot_general3A_45 = arith.constant dense<0.000000e+00> : vector<1000x128xf32>
    %dot_general3A_46 = tpu.matmul %max3A_41, %get3A_44, %dot_general3A_45 {dimension_numbers = #tpu.dot_dimension_numbers<[1], [0], [0], [1], [0, 0, 1, 1], [], []>, transpose_lhs_hint = false} : vector<1000x128xf32>, vector<128x128xf32>, vector<1000x128xf32> -> vector<1000x128xf32>
    %get3A_47 = arith.constant 0 : index
    %get3A_48 = arith.constant 0 : index
    %get3A_49 = vector.load %arg10[%get3A_47, %get3A_48] : memref<1x128xf32, #tpu.memory_space<vmem>>, vector<1x128xf32>
    %add3A_50 = vector.broadcast %get3A_49 : vector<1x128xf32> to vector<1000x128xf32>
    %add3A_51 = arith.addf %dot_general3A_46, %add3A_50 : vector<1000x128xf32>
    %get3A_52 = arith.constant 0 : index
    %get3A_53 = arith.constant 0 : index
    %get3A_54 = vector.load %arg13[%get3A_52, %get3A_53] : memref<128x128xf32, #tpu.memory_space<vmem>>, vector<128x128xf32>
    %dot_general3A_55 = arith.constant dense<0.000000e+00> : vector<1000x128xf32>
    %dot_general3A_56 = tpu.matmul %add3A_51, %get3A_54, %dot_general3A_55 {dimension_numbers = #tpu.dot_dimension_numbers<[1], [0], [0], [1], [0, 0, 1, 1], [], []>, transpose_lhs_hint = false} : vector<1000x128xf32>, vector<128x128xf32>, vector<1000x128xf32> -> vector<1000x128xf32>
    %sub3A = arith.subf %add3A_51, %dot_general3A_56 : vector<1000x128xf32>
    %mul3A = arith.mulf %sub3A, %sub3A : vector<1000x128xf32>
    %get3A_57 = arith.constant 0 : index
    %get3A_58 = arith.constant 0 : index
    %get3A_59 = vector.load %arg13[%get3A_57, %get3A_58] : memref<128x128xf32, #tpu.memory_space<vmem>>, vector<128x128xf32>
    %dot_general3A_60 = arith.constant dense<0.000000e+00> : vector<1000x128xf32>
    %dot_general3A_61 = tpu.matmul %mul3A, %get3A_59, %dot_general3A_60 {dimension_numbers = #tpu.dot_dimension_numbers<[1], [0], [0], [1], [0, 0, 1, 1], [], []>, transpose_lhs_hint = false} : vector<1000x128xf32>, vector<128x128xf32>, vector<1000x128xf32> -> vector<1000x128xf32>
    %add3A_62 = arith.constant 9.99999974E-6 : f32
    %add3A_63 = vector.broadcast %add3A_62 : f32 to vector<1000x128xf32>
    %add3A_64 = arith.addf %dot_general3A_61, %add3A_63 : vector<1000x128xf32>
    %rsqrt3A = math.rsqrt %add3A_64 : vector<1000x128xf32>
    %mul3A_65 = arith.mulf %sub3A, %rsqrt3A : vector<1000x128xf32>
    %get3A_66 = arith.constant 0 : index
    %get3A_67 = arith.constant 0 : index
    %get3A_68 = vector.load %arg11[%get3A_66, %get3A_67] : memref<1x128xf32, #tpu.memory_space<vmem>>, vector<1x128xf32>
    %mul3A_69 = vector.broadcast %get3A_68 : vector<1x128xf32> to vector<1000x128xf32>
    %mul3A_70 = arith.mulf %mul3A_65, %mul3A_69 : vector<1000x128xf32>
    %add3A_71 = arith.addf %get3A_1, %mul3A_70 : vector<1000x128xf32>
    %get3A_72 = arith.constant 0 : index
    %get3A_73 = arith.constant 0 : index
    %get3A_74 = vector.load %arg12[%get3A_72, %get3A_73] : memref<1x128xf32, #tpu.memory_space<vmem>>, vector<1x128xf32>
    %add3A_75 = vector.broadcast %get3A_74 : vector<1x128xf32> to vector<1000x128xf32>
    %add3A_76 = arith.addf %add3A_71, %add3A_75 : vector<1000x128xf32>
    %swap3A = arith.constant 0 : index
    %swap3A_77 = arith.constant 0 : index
    %swap3A_78 = vector.load %arg14[%swap3A, %swap3A_77] : memref<1000x128xf32, #tpu.memory_space<vmem>>, vector<1000x128xf32>
    tpu.vector_store %arg14[%swap3A, %swap3A_77], %add3A_76 {strides = array<i32>} : memref<1000x128xf32, #tpu.memory_space<vmem>>, vector<1000x128xf32>,
    return
  }
  func.func @transform_0(%arg0: i32) -> (i32, i32) {
    %c0_i32 = arith.constant 0 : i32
    %c0_i32_0 = arith.constant 0 : i32
    return %arg0, %c0_i32 : i32, i32
  }
  func.func @transform_1(%arg0: i32) -> (i32, i32) {
    %c0_i32 = arith.constant 0 : i32
    %c0_i32_0 = arith.constant 0 : i32
    return %arg0, %c0_i32 : i32, i32
  }
  func.func @transform_2(%arg0: i32) -> (i32, i32) {
    %c0_i32 = arith.constant 0 : i32
    %c0_i32_0 = arith.constant 0 : i32
    %c0_i32_1 = arith.constant 0 : i32
    return %c0_i32, %c0_i32_0 : i32, i32
  }
  func.func @transform_3(%arg0: i32) -> (i32, i32) {
    %c0_i32 = arith.constant 0 : i32
    %c0_i32_0 = arith.constant 0 : i32
    %c0_i32_1 = arith.constant 0 : i32
    return %c0_i32, %c0_i32_0 : i32, i32
  }
  func.func @transform_4(%arg0: i32) -> (i32, i32) {
    %c0_i32 = arith.constant 0 : i32
    %c0_i32_0 = arith.constant 0 : i32
    %c0_i32_1 = arith.constant 0 : i32
    return %c0_i32, %c0_i32_0 : i32, i32
  }
  func.func @transform_5(%arg0: i32) -> (i32, i32) {
    %c0_i32 = arith.constant 0 : i32
    %c0_i32_0 = arith.constant 0 : i32
    %c0_i32_1 = arith.constant 0 : i32
    return %c0_i32, %c0_i32_0 : i32, i32
  }
  func.func @transform_6(%arg0: i32) -> (i32, i32) {
    %c0_i32 = arith.constant 0 : i32
    %c0_i32_0 = arith.constant 0 : i32
    %c0_i32_1 = arith.constant 0 : i32
    return %c0_i32, %c0_i32_0 : i32, i32
  }
  func.func @transform_7(%arg0: i32) -> (i32, i32) {
    %c0_i32 = arith.constant 0 : i32
    %c0_i32_0 = arith.constant 0 : i32
    %c0_i32_1 = arith.constant 0 : i32
    return %c0_i32, %c0_i32_0 : i32, i32
  }
  func.func @transform_8(%arg0: i32) -> (i32, i32) {
    %c0_i32 = arith.constant 0 : i32
    %c0_i32_0 = arith.constant 0 : i32
    %c0_i32_1 = arith.constant 0 : i32
    return %c0_i32, %c0_i32_0 : i32, i32
  }
  func.func @transform_9(%arg0: i32) -> (i32, i32) {
    %c0_i32 = arith.constant 0 : i32
    %c0_i32_0 = arith.constant 0 : i32
    %c0_i32_1 = arith.constant 0 : i32
    return %c0_i32, %c0_i32_0 : i32, i32
  }
  func.func @transform_10(%arg0: i32) -> (i32, i32) {
    %c0_i32 = arith.constant 0 : i32
    %c0_i32_0 = arith.constant 0 : i32
    %c0_i32_1 = arith.constant 0 : i32
    return %c0_i32, %c0_i32_0 : i32, i32
  }
  func.func @transform_11(%arg0: i32) -> (i32, i32) {
    %c0_i32 = arith.constant 0 : i32
    %c0_i32_0 = arith.constant 0 : i32
    %c0_i32_1 = arith.constant 0 : i32
    return %c0_i32, %c0_i32_0 : i32, i32
  }
  func.func @transform_12(%arg0: i32) -> (i32, i32) {
    %c0_i32 = arith.constant 0 : i32
    %c0_i32_0 = arith.constant 0 : i32
    %c0_i32_1 = arith.constant 0 : i32
    return %c0_i32, %c0_i32_0 : i32, i32
  }
  func.func @transform_13(%arg0: i32) -> (i32, i32) {
    %c0_i32 = arith.constant 0 : i32
    %c0_i32_0 = arith.constant 0 : i32
    return %arg0, %c0_i32 : i32, i32
  }
}

</mosaic_0001>

<sc_bundles>
// kernel: kernel.10.cloned.1.call-start
scs
__scs_entry_jumppad:
0x0: {  	(pc) =	sbr.rel $0x88, $3  }
0x1: {  	(tag) =	ssettag $0x0;
	lr =	simm.s32 $0x1  }
0x2: {  	[smem:$0x3F8A] =	sst lr;
	_ =	strace $0xD0000000  }
0x3: {  	_ = 	snop  }
0x4: {  	_ = 	snop  }
0x5: {  	_ = 	snop  }
0x6: {  	_ = 	snop  }
0x7: {  	_ = 	snop  }
__scs_overlays_trampoline_lowered:
0x8: {  	[smem:$0x3F99] =	sst s0  }
0x9: {  	[smem:$0x3F9A] =	sst s1  }
0xa: {  	[smem:$0x3F9B] =	sst s2  }
0xb: {  	[smem:$0x3F9C] =	sst s3  }
0xc: {  	[smem:$0x3F9D] =	sst s4  }
0xd: {  	[smem:$0x3F9E] =	sst s5  }
0xe: {  	[smem:$0x3F9F] =	sst s6  }
0xf: {  	[smem:$0x3FA0] =	sst s7  }
0x10: {  	[smem:$0x3FA1] =	sst s8  }
0x11: {  	[smem:$0x3FA2] =	sst s9;
	s0 =	simm.s32 @!p0 $0x0  }
0x12: {  	s1 =	sld [smem:$0x3F88];
	s0 =	simm.s32 @p0 $0x1  }
0x13: {  	[smem:$0x3FA3] =	sst s0;
	s0 =	simm.s32 @!p1 $0x0  }
0x14: {  	s2 =	sld [smem:$0x3F87];
	s0 =	simm.s32 @p1 $0x1  }
0x15: {  	[smem:$0x3FA4] =	sst s0;
	s0 =	simm.s32 @!p2 $0x0  }
0x16: {  	s3 =	sld [smem:$0x3FDB];
	s0 =	simm.s32 @p2 $0x1  }
0x17: {  	s4 =	simm.s32 $0x1BF5;
	[smem:$0x3FA6] =	sst s0  }
0x18: {  	s0 =	sld [smem:$0x3F89];
	_ =	swait.ge [sflag:s4], $0x0  }
0x19: {  	s7 =	sld [smem:$0x3F8A]  }
0x1a: {  	s8 =	sadd.s32 $0xFFFFE003, lr  }
0x1b: {  	s9 =	sadd.s32 $0xFFFFFEF7, lr;
	s5 =	simm.s32 $0xFFFFFFFF;
	p2 =	slt.u32 s8, $0xFFFFF086  }
0x1c: {  	p1 =	slt.u32 s9, $0xF7A;
	s5 =	simm.s32 @!p2 $0x0  }
0x1d: {  	s5 =	simm.s32 @p1 $0x1;
	p0 =	seq.s32 s7, s2  }
0x1e: {  	s7 =	smul.u32 @!p0 $0xF7A, s2;
	p2 =	seq.s32 @!p0 s5, $0x0  }
0x1f: {  	s9 =	smul.u32 $0xF7A, s1;
	s8 =	simm.s32 @!p0 $0x1BF5;
	p2 =	por !p2, p0  }
0x20: {  	[sflag:s8] =	ssyncset.s32 @!p0 $0xFFFFF086;
	s6 =	sadd.s32 @!p0 s3, s7;
	s7 =	simm.s32 @!p0 $0x108  }
0x21: {  	s3 =	sadd.s32 s3, s9;
	s6 =	sadd.s32 @!p0 $0x88, s6;
	s7 =	simm.s32 @p2 $0x1082  }
0x22: {  	[simem:s7], [sflag:s8] =	dma.local @!p0 [hbm:s6], $0xF7A  }
0x23: {  	s9 =	sor.u32 $0xD0000000, s2;
	s6 =	simm.s32 $0x108;
	_ =	swait.ge @!p0 [sflag:s8], $0x0  }
0x24: {  	s3 =	sadd.s32 $0x88, s3;
	s6 =	simm.s32 @!p1 $0x1082;
	[sflag:s4] =	ssyncset.s32 $0xFFFFF086  }
0x25: {  	[simem:s6], [sflag:s4] =	dma.local [hbm:s3], $0xF7A  }
0x26: {  	[smem:$0x3F8A] =	sst s1;
	(tag) =	ssettag s2;
	_ =	strace s9  }
0x27: {  	s1 =	sld [smem:$0x3F9A]  }
0x28: {  	s2 =	sld [smem:$0x3F9B]  }
0x29: {  	s4 =	sld [smem:$0x3F9D]  }
0x2a: {  	p0 =	seq.s32 s5, $0x0;
	s5 =	sld [smem:$0x3F9E]  }
0x2b: {  	s6 =	sld [smem:$0x3F9F]  }
0x2c: {  	s7 =	sld [smem:$0x3FA0]  }
0x2d: {  	s3 =	simm.s32 $0x108;
	s8 =	sld [smem:$0x3FA1]  }
0x2e: {  	s3 =	simm.s32 @!p0 $0x1082;
	s9 =	sld [smem:$0x3FA2]  }
0x2f: {  	lr =	sadd.s32 s0, s3;
	s0 =	sld [smem:$0x3F99]  }
0x30: {  	s3 =	sld [smem:$0x3F9C]  }
0x31: {  	[smem:$0x3FA5] =	sst s10  }
0x32: {  	s10 =	sld [smem:$0x3FA3];
	_ =	sdelay $0x3  }
0x33: {  	p0 =	seq.s32 s10, $0x1;
	s10 =	sld [smem:$0x3FA5];
	_ =	sdelay $0x3  }
0x34: {  	[smem:$0x3FA5] =	sst s10  }
0x35: {  	s10 =	sld [smem:$0x3FA4];
	_ =	sdelay $0x3  }
0x36: {  	p1 =	seq.s32 s10, $0x1;
	s10 =	sld [smem:$0x3FA5];
	_ =	sdelay $0x3  }
0x37: {  	[smem:$0x3FA5] =	sst s10  }
0x38: {  	s10 =	sld [smem:$0x3FA6]  }
0x39: {  	_ = 	snop;
	(pc) =	sbr.ind lr, $3  }
0x3a: {  	_ = 	snop  }
0x3b: {  	_ = 	snop  }
0x3c: {  	p2 =	seq.s32 s10, $0x1;
	s10 =	sld [smem:$0x3FA5]  }
0x3d: {  	_ =	shalt  }
0x3e: {  	_ =	shalt  }
0x3f: {  	_ =	shalt  }
0x40: {  	_ =	shalt  }
0x41: {  	_ =	shalt  }
0x42: {  	_ =	shalt  }
0x43: {  	_ =	shalt  }
0x44: {  	_ =	shalt  }
0x45: {  	_ =	shalt  }
0x46: {  	_ =	shalt  }
0x47: {  	_ =	shalt  }
0x48: {  	_ =	shalt  }
0x49: {  	_ =	shalt  }
0x4a: {  	_ =	shalt  }
0x4b: {  	_ =	shalt  }
0x4c: {  	_ =	shalt  }
0x4d: {  	_ =	shalt  }
0x4e: {  	_ =	shalt  }
0x4f: {  	_ =	shalt  }
0x50: {  	_ =	shalt  }
0x51: {  	_ =	shalt  }
0x52: {  	_ =	shalt  }
0x53: {  	_ =	shalt  }
0x54: {  	_ =	shalt  }
0x55: {  	_ =	shalt  }
0x56: {  	_ =	shalt  }
0x57: {  	_ =	shalt  }
0x58: {  	_ =	shalt  }
0x59: {  	_ =	shalt  }
0x5a: {  	_ =	shalt  }
0x5b: {  	_ =	shalt  }
0x5c: {  	_ =	shalt  }
0x5d: {  	_ =	shalt  }
0x5e: {  	_ =	shalt  }
0x5f: {  	_ =	shalt  }
0x60: {  	_ =	shalt  }
0x61: {  	_ =	shalt  }
0x62: {  	_ =	shalt  }
0x63: {  	_ =	shalt  }
0x64: {  	_ =	shalt  }
0x65: {  	_ =	shalt  }
0x66: {  	_ =	shalt  }
0x67: {  	_ =	shalt  }
0x68: {  	_ =	shalt  }
0x69: {  	_ =	shalt  }
0x6a: {  	_ =	shalt  }
0x6b: {  	_ =	shalt  }
0x6c: {  	_ =	shalt  }
0x6d: {  	_ =	shalt  }
0x6e: {  	_ =	shalt  }
0x6f: {  	_ =	shalt  }
0x70: {  	_ =	shalt  }
0x71: {  	_ =	shalt  }
0x72: {  	_ =	shalt  }
0x73: {  	_ =	shalt  }
0x74: {  	_ =	shalt  }
0x75: {  	_ =	shalt  }
0x76: {  	_ =	shalt  }
0x77: {  	_ =	shalt  }
0x78: {  	_ =	shalt  }
0x79: {  	_ =	shalt  }
0x7a: {  	_ =	shalt  }
0x7b: {  	_ =	shalt  }
0x7c: {  	_ =	shalt  }
0x7d: {  	_ =	shalt  }
0x7e: {  	_ =	shalt  }
0x7f: {  	_ =	shalt  }
0x80: {  	_ =	shalt  }
0x81: {  	_ =	shalt  }
0x82: {  	_ =	shalt  }
0x83: {  	_ =	shalt  }
0x84: {  	_ =	shalt  }
0x85: {  	_ =	shalt  }
0x86: {  	_ =	shalt  }
0x87: {  	_ =	shalt  }
.Lfunc_end0:
.L_simem_size_0:
called_computation.2_lowered:
.L_overlay_start_0:
0x88: {  	s2 =	sld [smem:$0x3FD9]  }
0x89: {  	s3 =	sld [smem:$0x3FFE];
	_ =	sdelay $0x1  }
0x8a: {  	s1 =	srdreg.scid  }
0x8b: {  	s0 =	sand.u32 $0x1, s1  }
0x8c: {  	s16 =	sshll.u32 s0, $0xA;
	s2 =	sadd.s32 s3, s2  }
0x8d: {  	s2 =	sadd.s32 s2, s16  }
0x8e: {  	[smem:$0x3FB1] =	sst s2  }
0x8f: {  	_ = 	snop  }
0x90: {  	(tm) =	ssettm $0x1  }
0x91: {  	s17 =	sld [smem:$0x3FFB];
	_ =	sdelay $0x3  }
0x92: {  	_ =	strace s17  }
0x93: {  	s2 =	sld [smem:$0x3FFC];
	_ =	sdelay $0x3  }
0x94: {  	_ =	strace s2  }
0x95: {  	s2 =	sld [smem:$0x3FFD];
	_ =	sdelay $0x3  }
0x96: {  	_ =	strace s2  }
0x97: {  	_ =	strace $0x8FFFFFFF  }
0x98: {  	s18 =	sld [smem:$0x3FDB];
	_ =	sdelay $0x1  }
0x99: {  	s19 =	simm.s32 $_scs_section_size  }
0x9a: {  	s4 =	simm.s32 $_size__tile_overlayer_lowered;
	s5 =	simm.s32 $_tile_overlayer_lowered  }
0x9b: {  	s22 =	simm.s32 $0x1BFF;
	s21 =	sshll.u32 s5, $0x1;
	s2 =	sadd.s32 s19, s18  }
0x9c: {  	s6 =	simm.s32 $0x0;
	s20 =	sshll.u32 s4, $0x1;
	s4 =	sadd.s32 s21, s2  }
0x9d: {  	[timem:s6], [sflag:s22] =	dma.local [hbm:s4], s20  }
0x9e: {  	_ =	swait.ge [sflag:s22], s20  }
0x9f: {  	s3 =	ssub.s32 $0x0, s20;
	[sflag:s22] =	ssyncset.done $0x0  }
0xa0: {  	[sflag:s22] =	ssyncadd.s32 s3;
	_ =	sdelay $0x1  }
0xa1: {  	s23 =	simm.s32 $0x1B8B  }
0xa2: {  	_ =	swait.ge [sflag:s23], $0x1  }
0xa3: {  	[sflag:s23] =	ssyncset.done $0x0  }
0xa4: {  	s25 =	simm.s32 $0x1B8E;
	s24 =	sld [smem:$0x3FFE];
	[sflag:s23] =	ssyncadd.s32 $0xFFFFFFFF  }
0xa5: {  	s26 =	simm.s32 $execute0_lowered;
	[smem:$0x3FD2] =	sst s25  }
0xa6: {  	s4 =	sshll.u32 s26, $0x1;
	_ =	strace $0x80000049;
	[dreg:$0x1] =	wrdreg $0xFFFFFFFF  }
0xa7: {  	s28 =	simm.s32 $_size_execute0_lowered;
	s2 =	sadd.s32 s2, s4;
	[dreg:$0x0] =	wrdreg $0x0  }
0xa8: {  	s4 =	sshll.u32 s28, $0x1;
	[dreg:$0x2] =	wrdreg s2  }
0xa9: {  	[dreg:$0x3] =	wrdreg s4  }
0xaa: {  	[dreg:$0x4] =	wrdreg $0xC0  }
0xab: {  	_ =	task [dreg:s6], $0x5FFFF  }
0xac: {  	[dreg:$0x1] =	wrdreg $0xFFFFFFFF  }
0xad: {  	[dreg:$0x0] =	wrdreg $0x60  }
0xae: {  	[dreg:$0x2] =	wrdreg s24  }
0xaf: {  	[dreg:$0x3] =	wrdreg $0x0  }
0xb0: {  	[dreg:$0x4] =	wrdreg $0xA  }
0xb1: {  	_ =	task.clear_ibuf [dreg:s6], $0x5FFFF;
	_ =	strace $0x90000049  }
0xb2: {  	s29 =	simm.s32 $0xA;
	_ =	strace $0x8000004B  }
0xb3: {  	_ =	swait.ge [sflag:s29], $0x1  }
0xb4: {  	[sflag:s29] =	ssyncadd.s32 $0xFFFFFFFF  }
0xb5: {  	_ =	strace $0x9000004B  }
0xb6: {  	_ =	sfence  }
0xb7: {  	s30 =	sld [smem:$0x0];
	_ =	sdelay $0x2  }
0xb8: {  	s31 =	sshll.u32 s1, $0xD;
	s1 =	sshrl.u32 s1, $0x2  }
0xb9: {  	s3 =	sand.u32 $0x4000, s31;
	s1 =	sadd.s32 s1, s30  }
0xba: {  	s0 =	sor.u32 s3, s0;
	s1 =	sshll.u32 s1, $0x11  }
0xbb: {  	s0 =	sor.u32 s1, s0  }
0xbc: {  	s0 =	sadd.s32 $0x8F2B, s0  }
0xbd: {  	[sflag:s0] =	ssyncadd.remote.s32 $0x1  }
0xbe: {  	_ =	sfence.sel $0xFFFF  }
0xbf: {  	[dreg:$0x0] =	wrdreg $0xFFFFFFFF;
	(pc) =	sbr.abs _section_cstart, $3  }
0xc0: {  	[dreg:$0x1] =	wrdreg $0xFFFFFFFF  }
0xc1: {  	_ =	task.clear_ibuf [dreg:s6], $0x2FFFF;
	_ =	strace $0x9FFFFFFF  }
0xc2: {  	(tm) =	ssettm $0x7FFFFFFF  }
0xc3: {  	_ =	shalt  }
tec
execute0_lowered:
.L_overlay_start_1:
0x0: {  	(tag) =	ssettag $0x1  }
0x1: {  	s0 =	rddreg [dreg:$0x0]  }
0x2: {  	s1 =	rddreg [dreg:$0x1];
	s3 =	simm.s32 $0x0  }
0x3: {  	s2 =	srdreg.scid;
	s7 =	stileid.u32;
	s17 =	simm.s32 $0x3  }
0x4: {  	s18 =	simm.s32 $0x186C0;
	s19 =	simm.s32 $0x1B8C0;
	s20 =	simm.s32 $0x1BA50  }
0x5: {  	s21 =	simm.s32 $0x190;
	s23 =	simm.s32 $0x1BBE0;
	s8 =	smul.u32 $0xC35, s7  }
0x6: {  	[smem:$0x7FF] =	sst s3;
	s2 =	sand.u32 $0x1, s2;
	s10 =	smul.u32 $0x61B00, s7  }
0x7: {  	s4 =	sadd.s32 $0xD73C00, s0;
	s5 =	sadd.s32 $0x49200, s0;
	s13 =	smul.u32 $0x186A0, s7  }
0x8: {  	s6 =	sadd.s32 $0x18400, s0;
	s9 =	sadd.s32 $0x6400, s0;
	s15 =	smul.u32 $0x61A80, s7  }
0x9: {  	s28 =	sor.u32 $0xC350, s7;
	s30 =	sshll.u32 s7, $0x6;
	s26 =	smul.u32 $0xC350, s2  }
0xa: {  	_ =	strace $0x8000004A;
	[dreg:$0x3] =	wrdreg s9;
	s2 =	ssub.s32 $0x2, s2  }
0xb: {  	v2 =	vmov s28;
	s28 =	simm.s32 $0x2;
	s24 =	sshrl.u32 s2, $0x1;
	s25 =	sshrl.u32 s10, $0x2  }
0xc: {  	s11 =	sshrl.u32 s13, $0x3;
	s9 =	sadd.s32 s4, s15;
	s12 =	sadd.s32 $0x190, s13  }
0xd: {  	s13 =	sadd.s32 $0x320, s13;
	s31 =	sshrl.u32 s15, $0x2;
	s8 =	sadd.s32 s8, s26  }
0xe: {  	s2 =	ssub.s32 s2, s24;
	s16 =	sadd.s32 s25, s1;
	s10 =	sadd.s32 s5, s11  }
.Ltmp0:
0xf: {  	s11 =	sadd.s32 s6, s11;
	s29 =	sadd.s32 $0xC350, s26;
	(pc) =	sbr.rel .LBB2_1-.Ltmp0, $4  }
0x10: {  	s24 =	simm.s32 $0x1EDE0;
	s25 =	simm.s32 $0x1EF70;
	s8 =	sshll.u32 s8, $0x2  }
0x11: {  	v0 =	vmov s26;
	s26 =	simm.s32 $0x1;
	s15 =	smax.u32 s2, $0x1;
	s0 =	sadd.s32 s8, s0  }
0x12: {  	s16 =	sshrl.u32 s16, $0x3;
	s14 =	sadd.s32 $0x7A000, s0;
	s0 =	sadd.s32 s31, s1  }
0x13: {  	v1 =	vmov s29;
	s29 =	simm.s32 $0x0;
	s8 =	sor.u32 $0x1C03, s30;
	s22 =	sshrl.u32 s0, $0x3  }
.LBB2_16:
0x14: {  	_ =	swait.ge [sflag:s28], $0x3200  }
0x15: {  	[sflag:s28] =	ssyncset.done $0x0  }
0x16: {  	[sflag:s28] =	ssyncadd.s32 $0xFFFFCE00  }
0x17: {  	_ =	swait.ge [sflag:s28], $0x3200  }
0x18: {  	s29 =	sadd.s32 $0x1, s29;
	[sflag:s28] =	ssyncset.done $0x0  }
0x19: {  	p0 =	sne.s32 s29, s15;
	[sflag:s28] =	ssyncadd.s32 $0xFFFFCE00  }
.Ltmp1:
0x1a: {  	[bflag:$0x0] =	sbarrier.arrive $0xFFFF;
	(pc) =	sbr.rel @!p0 .LBB2_17-.Ltmp1, $4  }
0x1b: {  	[hbm:s14], [sflag:s8] =	dma.local [spmem:s22], $0x30D4  }
0x1c: {  	_ =	swait.ge [sflag:s17], $0x30D4  }
0x1d: {  	[sflag:s17] =	ssyncset.done $0x0  }
0x1e: {  	[sflag:s17] =	ssyncadd.s32 $0xFFFFCF2C  }
.LBB2_1:
0x1f: {  	s0 =	rddreg [dreg:$0x3]  }
0x20: {  	[spmem:s16], [sflag:s8] =	dma.local [hbm:s0], $0x30D8  }
0x21: {  	_ =	swait.ge [sflag:s17], $0x30D8  }
0x22: {  	[sflag:s17] =	ssyncset.done $0x0  }
0x23: {  	[sflag:s17] =	ssyncadd.s32 $0xFFFFCF28  }
0x24: {  	[bflag:$0x0] =	sbarrier.arrive $0xFFFF  }
0x25: {  	[tilespmem:s18], [sflag:$0x3] =	stream.linear.gather [hbm4b:s9+s3], $0x3200, $0x38;
	[tilespmem:$0x1F100] =	vst v63  }
0x26: {  	_ =	swait.ge [sflag:s17], $0x3200  }
0x27: {  	[sflag:s17] =	ssyncset.done $0x0  }
0x28: {  	[sflag:s17] =	ssyncadd.s32 $0xFFFFCE00  }
0x29: {  	[tilespmem:s19], [sflag:$0x3] =	stream.linear.gather [hbm4b:s10+s3], $0x190, $0x38;
	[tilespmem:$0x1F100] =	vst v63  }
0x2a: {  	_ =	swait.ge [sflag:s17], $0x190  }
0x2b: {  	[sflag:s17] =	ssyncset.done $0x0  }
0x2c: {  	[sflag:s17] =	ssyncadd.s32 $0xFFFFFE70  }
0x2d: {  	[tilespmem:s20], [sflag:$0x3] =	stream.linear.gather [hbm4b:s11+s3], $0x190, $0x38;
	[tilespmem:$0x1F100] =	vst v63  }
0x2e: {  	_ =	swait.ge [sflag:s17], $0x190  }
0x2f: {  	[sflag:s17] =	ssyncset.done $0x0  }
0x30: {  	s30 =	simm.s32 $0x0;
	s0 =	simm.s32 $0x40;
	[sflag:s17] =	ssyncadd.s32 $0xFFFFFE70  }
.LBB2_2:
0x31: {  	p0 =	sne.s32 s0, $0x600;
	v3 =	vld [tilespmem:s30+$0x1B8C0];
	_ =	sdelay $0x3  }
.Ltmp2:
0x32: {  	(pc) =	sbr.rel @p0 .LBB2_2-.Ltmp2, $4  }
0x33: {  	vm0 =	vge.s32 v3, v0;
	vm1 =	vlt.s32 v3, v1  }
0x34: {  	v3 =	vsub.s32 v3, v0;
	vm0 =	vmand vm0, vm1  }
0x35: {  	v3 =	vsel vm0, v3, v2  }
0x36: {  	[tilespmem:s30+$0x1B8C0] =	vst v3;
	s30 =	sshra.s32 s0, $0x2;
	s0 =	sadd.s32 $0x40, s0  }
0x37: {  	v3 =	vld [tilespmem:s30+$0x1B8C0];
	_ =	sdelay $0x4  }
0x38: {  	vm0 =	vge.s32 v3, v0;
	vm1 =	vlt.s32 v3, v1  }
0x39: {  	v3 =	vsub.s32 v3, v0;
	vm0 =	vmand vm0, vm1  }
0x3a: {  	v3 =	vsel vm0, v3, v2  }
0x3b: {  	s31 =	simm.s32 $0x0;
	s0 =	simm.s32 $0x40;
	[tilespmem:s30+$0x1B8C0] =	vst v3;
	s30 =	simm.s32 $0x0  }
.LBB2_4:
0x3c: {  	p0 =	sne.s32 s0, $0x600;
	v3 =	vld [tilespmem:s31+$0x1BA50];
	_ =	sdelay $0x3  }
.Ltmp3:
0x3d: {  	(pc) =	sbr.rel @p0 .LBB2_4-.Ltmp3, $4  }
0x3e: {  	vm0 =	vge.s32 v3, v0;
	vm1 =	vlt.s32 v3, v1  }
0x3f: {  	v3 =	vsub.s32 v3, v0;
	vm0 =	vmand vm0, vm1  }
0x40: {  	v3 =	vsel vm0, v3, v2  }
0x41: {  	[tilespmem:s31+$0x1BA50] =	vst v3;
	s31 =	sshra.s32 s0, $0x2;
	s0 =	sadd.s32 $0x40, s0  }
0x42: {  	v3 =	vld [tilespmem:s31+$0x1BA50];
	_ =	sdelay $0x4  }
0x43: {  	vm0 =	vge.s32 v3, v0;
	vm1 =	vlt.s32 v3, v1  }
0x44: {  	v3 =	vsub.s32 v3, v0;
	vm0 =	vmand vm0, vm1  }
0x45: {  	v3 =	vsel vm0, v3, v2  }
0x46: {  	[tilespmem:s31+$0x1BA50] =	vst v3  }
.LBB2_6:
0x47: {  	[spmem:s1] =	stream.indirect.scatter.add.f32 [tilespmem:s18], [sflag:$0x1], $0x20, s19, s21, $0xb8;
	[tilespmem:$0x1F100] =	vst v63  }
0x48: {  	p0 =	seq.s32 s30, $0x0  }
0x49: {  	s0 =	simm.s32 @!p0 $0x2  }
0x4a: {  	[spmem:s1] =	stream.indirect.scatter.add.f32 [tilespmem:s18], [sflag:$0x1], $0x20, s20, s21, $0xb8;
	[tilespmem:$0x1F100] =	vst v63  }
0x4b: {  	_ =	swait.ge @!p0 [sflag:s0], $0x3200  }
0x4c: {  	s31 =	smul.u32 $0x320, s30;
	[sflag:s0] =	ssyncset.done @!p0 $0x0  }
0x4d: {  	[sflag:s0] =	ssyncadd.s32 @!p0 $0xFFFFCE00  }
0x4e: {  	s2 =	sadd.s32 s31, s12;
	_ =	swait.ge @!p0 [sflag:s0], $0x3200  }
0x4f: {  	s7 =	sshll.u32 s2, $0x2;
	[sflag:s0] =	ssyncset.done @!p0 $0x0  }
0x50: {  	[sflag:s0] =	ssyncadd.s32 @!p0 $0xFFFFCE00;
	s0 =	sadd.s32 s4, s7;
	s7 =	simm.s32 $0x0  }
0x51: {  	[tilespmem:s23], [sflag:$0x3] =	stream.linear.gather [hbm4b:s0+s7], $0x3200, $0x38;
	[tilespmem:$0x1F100] =	vst v63  }
0x52: {  	_ =	swait.ge [sflag:s17], $0x3200  }
0x53: {  	s0 =	sshrl.u32 s2, $0x3;
	[sflag:s17] =	ssyncset.done $0x0  }
0x54: {  	s2 =	sadd.s32 s5, s0;
	[sflag:s17] =	ssyncadd.s32 $0xFFFFCE00  }
0x55: {  	[tilespmem:s24], [sflag:$0x3] =	stream.linear.gather [hbm4b:s2+s7], $0x190, $0x38;
	[tilespmem:$0x1F100] =	vst v63  }
0x56: {  	_ =	swait.ge [sflag:s17], $0x190  }
0x57: {  	[sflag:s17] =	ssyncset.done $0x0  }
0x58: {  	s0 =	sadd.s32 s6, s0;
	[sflag:s17] =	ssyncadd.s32 $0xFFFFFE70  }
0x59: {  	[tilespmem:s25], [sflag:$0x3] =	stream.linear.gather [hbm4b:s0+s7], $0x190, $0x38;
	[tilespmem:$0x1F100] =	vst v63  }
0x5a: {  	_ =	swait.ge [sflag:s17], $0x190  }
0x5b: {  	[sflag:s17] =	ssyncset.done $0x0  }
0x5c: {  	s2 =	simm.s32 $0x40;
	s0 =	simm.s32 $0x0;
	[sflag:s17] =	ssyncadd.s32 $0xFFFFFE70  }
.LBB2_7:
0x5d: {  	p0 =	sne.s32 s2, $0x600;
	v3 =	vld [tilespmem:s0+$0x1EDE0];
	_ =	sdelay $0x3  }
.Ltmp4:
0x5e: {  	(pc) =	sbr.rel @p0 .LBB2_7-.Ltmp4, $4  }
0x5f: {  	vm0 =	vge.s32 v3, v0;
	vm1 =	vlt.s32 v3, v1  }
0x60: {  	v3 =	vsub.s32 v3, v0;
	vm0 =	vmand vm0, vm1  }
0x61: {  	v3 =	vsel vm0, v3, v2  }
0x62: {  	[tilespmem:s0+$0x1EDE0] =	vst v3;
	s0 =	sshra.s32 s2, $0x2;
	s2 =	sadd.s32 $0x40, s2  }
0x63: {  	v3 =	vld [tilespmem:s0+$0x1EDE0];
	_ =	sdelay $0x4  }
0x64: {  	vm0 =	vge.s32 v3, v0;
	vm1 =	vlt.s32 v3, v1  }
0x65: {  	v3 =	vsub.s32 v3, v0;
	vm0 =	vmand vm0, vm1  }
0x66: {  	v3 =	vsel vm0, v3, v2  }
0x67: {  	s2 =	simm.s32 $0x40;
	[tilespmem:s0+$0x1EDE0] =	vst v3;
	s0 =	simm.s32 $0x0  }
.LBB2_9:
0x68: {  	p0 =	sne.s32 s2, $0x600;
	v3 =	vld [tilespmem:s0+$0x1EF70];
	_ =	sdelay $0x3  }
.Ltmp5:
0x69: {  	(pc) =	sbr.rel @p0 .LBB2_9-.Ltmp5, $4  }
0x6a: {  	vm0 =	vge.s32 v3, v0;
	vm1 =	vlt.s32 v3, v1  }
0x6b: {  	v3 =	vsub.s32 v3, v0;
	vm0 =	vmand vm0, vm1  }
0x6c: {  	v3 =	vsel vm0, v3, v2  }
0x6d: {  	[tilespmem:s0+$0x1EF70] =	vst v3;
	s0 =	sshra.s32 s2, $0x2;
	s2 =	sadd.s32 $0x40, s2  }
0x6e: {  	v3 =	vld [tilespmem:s0+$0x1EF70];
	_ =	sdelay $0x4  }
0x6f: {  	vm0 =	vge.s32 v3, v0;
	vm1 =	vlt.s32 v3, v1  }
0x70: {  	v3 =	vsub.s32 v3, v0;
	vm0 =	vmand vm0, vm1  }
0x71: {  	v3 =	vsel vm0, v3, v2  }
0x72: {  	[tilespmem:s0+$0x1EF70] =	vst v3  }
0x73: {  	[spmem:s1] =	stream.indirect.scatter.add.f32 [tilespmem:s23], [sflag:$0x2], $0x20, s24, s21, $0xb8;
	[tilespmem:$0x1F100] =	vst v63  }
0x74: {  	_ = 	snop  }
0x75: {  	[spmem:s1] =	stream.indirect.scatter.add.f32 [tilespmem:s23], [sflag:$0x2], $0x20, s25, s21, $0xb8;
	[tilespmem:$0x1F100] =	vst v63  }
0x76: {  	p0 =	seq.s32 s30, $0x7C;
	_ =	swait.ge [sflag:s26], $0x3200  }
.Ltmp6:
0x77: {  	[sflag:s26] =	ssyncset.done $0x0;
	(pc) =	sbr.rel @p0 .LBB2_16-.Ltmp6, $4  }
0x78: {  	[sflag:s26] =	ssyncadd.s32 $0xFFFFCE00  }
0x79: {  	_ =	swait.ge [sflag:s26], $0x3200  }
0x7a: {  	[sflag:s26] =	ssyncset.done $0x0  }
0x7b: {  	[sflag:s26] =	ssyncadd.s32 $0xFFFFCE00  }
0x7c: {  	s0 =	sadd.s32 s31, s13  }
0x7d: {  	s2 =	sshll.u32 s0, $0x2  }
0x7e: {  	s7 =	simm.s32 $0x0;
	s2 =	sadd.s32 s4, s2  }
0x7f: {  	[tilespmem:s18], [sflag:$0x3] =	stream.linear.gather [hbm4b:s2+s7], $0x3200, $0x38;
	[tilespmem:$0x1F100] =	vst v63  }
0x80: {  	_ =	swait.ge [sflag:s17], $0x3200  }
0x81: {  	s0 =	sshrl.u32 s0, $0x3;
	[sflag:s17] =	ssyncset.done $0x0  }
0x82: {  	s31 =	sadd.s32 s5, s0;
	[sflag:s17] =	ssyncadd.s32 $0xFFFFCE00  }
0x83: {  	[tilespmem:s19], [sflag:$0x3] =	stream.linear.gather [hbm4b:s31+s7], $0x190, $0x38;
	[tilespmem:$0x1F100] =	vst v63  }
0x84: {  	_ =	swait.ge [sflag:s17], $0x190  }
0x85: {  	[sflag:s17] =	ssyncset.done $0x0  }
0x86: {  	s0 =	sadd.s32 s6, s0;
	[sflag:s17] =	ssyncadd.s32 $0xFFFFFE70  }
0x87: {  	[tilespmem:s20], [sflag:$0x3] =	stream.linear.gather [hbm4b:s0+s7], $0x190, $0x38;
	[tilespmem:$0x1F100] =	vst v63  }
0x88: {  	_ =	swait.ge [sflag:s17], $0x190  }
0x89: {  	[sflag:s17] =	ssyncset.done $0x0  }
0x8a: {  	s2 =	simm.s32 $0x40;
	s0 =	simm.s32 $0x0;
	[sflag:s17] =	ssyncadd.s32 $0xFFFFFE70  }
.LBB2_12:
0x8b: {  	p0 =	sne.s32 s2, $0x600;
	v3 =	vld [tilespmem:s0+$0x1B8C0];
	_ =	sdelay $0x3  }
.Ltmp7:
0x8c: {  	(pc) =	sbr.rel @p0 .LBB2_12-.Ltmp7, $4  }
0x8d: {  	vm0 =	vge.s32 v3, v0;
	vm1 =	vlt.s32 v3, v1  }
0x8e: {  	v3 =	vsub.s32 v3, v0;
	vm0 =	vmand vm0, vm1  }
0x8f: {  	v3 =	vsel vm0, v3, v2  }
0x90: {  	[tilespmem:s0+$0x1B8C0] =	vst v3;
	s0 =	sshra.s32 s2, $0x2;
	s2 =	sadd.s32 $0x40, s2  }
0x91: {  	v3 =	vld [tilespmem:s0+$0x1B8C0];
	_ =	sdelay $0x4  }
0x92: {  	vm0 =	vge.s32 v3, v0;
	vm1 =	vlt.s32 v3, v1  }
0x93: {  	v3 =	vsub.s32 v3, v0;
	vm0 =	vmand vm0, vm1  }
0x94: {  	v3 =	vsel vm0, v3, v2  }
0x95: {  	s2 =	simm.s32 $0x40;
	[tilespmem:s0+$0x1B8C0] =	vst v3;
	s0 =	simm.s32 $0x0  }
.LBB2_14:
0x96: {  	p0 =	sne.s32 s2, $0x600;
	v3 =	vld [tilespmem:s0+$0x1BA50];
	_ =	sdelay $0x3  }
.Ltmp8:
0x97: {  	(pc) =	sbr.rel @p0 .LBB2_14-.Ltmp8, $4  }
0x98: {  	vm0 =	vge.s32 v3, v0;
	vm1 =	vlt.s32 v3, v1  }
0x99: {  	v3 =	vsub.s32 v3, v0;
	vm0 =	vmand vm0, vm1  }
0x9a: {  	v3 =	vsel vm0, v3, v2  }
0x9b: {  	[tilespmem:s0+$0x1BA50] =	vst v3;
	s0 =	sshra.s32 s2, $0x2;
	s2 =	sadd.s32 $0x40, s2  }
0x9c: {  	v3 =	vld [tilespmem:s0+$0x1BA50];
	_ =	sdelay $0x3  }
.Ltmp9:
0x9d: {  	_ = 	snop;
	(pc) =	sbr.rel .LBB2_6-.Ltmp9, $4  }
0x9e: {  	vm0 =	vge.s32 v3, v0;
	vm1 =	vlt.s32 v3, v1  }
0x9f: {  	v3 =	vsub.s32 v3, v0;
	vm0 =	vmand vm0, vm1  }
0xa0: {  	v3 =	vsel vm0, v3, v2  }
0xa1: {  	s30 =	sadd.s32 $0x1, s30;
	[tilespmem:s0+$0x1BA50] =	vst v3  }
.LBB2_17:
0xa2: {  	_ =	sfence.sel $0x180000  }
0xa3: {  	[bflag:$0x0] =	sbarrier.arrive $0xFFFF  }
0xa4: {  	_ =	strace $0x9000004A  }
0xa5: {  	s0 =	stileid.u32;
	[bflag:$0x2] =	sbarrier.arrive $0xFFFF  }
0xa6: {  	p0 =	sne.s32 s0, $0x0;
	s0 =	rddreg [dreg:$0x2]  }
0xa7: {  	s0 =	sadd.s32 @!p0 $0x100000, s0  }
0xa8: {  	[sflag:s0] =	ssyncadd.tile.s32 @!p0 $0x1;
	_ =	shalt  }
.Lfunc_end2:
_tile_overlayer_lowered:
.L_overlay_start_2:
0xa9: {  	(tag) =	ssettag $0x2  }
0xaa: {  	s0 =	rddreg [dreg:$0x0];
	s2 =	stileid.u32  }
0xab: {  	s1 =	rddreg [dreg:$0x1];
	p0 =	sne.s32 s2, $0x0  }
0xac: {  	s3 =	rddreg [dreg:$0x2];
	[bflag:$0x3] =	sbarrier.arrive $0xFFFF;
	s2 =	simm.s32 @!p0 $0x1C03  }
0xad: {  	[timem:s3], [sflag:s2] =	dma.local @!p0 [hbm:s0], s1  }
0xae: {  	s0 =	simm.s32 @!p0 $0x3  }
0xaf: {  	_ =	swait.ge @!p0 [sflag:s0], s1  }
0xb0: {  	s1 =	ssub.s32 @!p0 $0x0, s1;
	[sflag:s0] =	ssyncset.done @!p0 $0x0  }
0xb1: {  	[sflag:s0] =	ssyncadd.s32 @!p0 s1  }
0xb2: {  	[bflag:$0x3] =	sbarrier.arrive $0xFFFF  }
0xb3: {  	_ =	shalt  }

// kernel: kernel.7.cloned.1.call-start
scs
__scs_entry_jumppad:
0x0: {  	(pc) =	sbr.rel $0x88, $3  }
0x1: {  	(tag) =	ssettag $0x0;
	lr =	simm.s32 $0x1  }
0x2: {  	[smem:$0x3F8A] =	sst lr;
	_ =	strace $0xD0000000  }
0x3: {  	_ = 	snop  }
0x4: {  	_ = 	snop  }
0x5: {  	_ = 	snop  }
0x6: {  	_ = 	snop  }
0x7: {  	_ = 	snop  }
__scs_overlays_trampoline_lowered:
0x8: {  	[smem:$0x3F99] =	sst s0  }
0x9: {  	[smem:$0x3F9A] =	sst s1  }
0xa: {  	[smem:$0x3F9B] =	sst s2  }
0xb: {  	[smem:$0x3F9C] =	sst s3  }
0xc: {  	[smem:$0x3F9D] =	sst s4  }
0xd: {  	[smem:$0x3F9E] =	sst s5  }
0xe: {  	[smem:$0x3F9F] =	sst s6  }
0xf: {  	[smem:$0x3FA0] =	sst s7  }
0x10: {  	[smem:$0x3FA1] =	sst s8  }
0x11: {  	[smem:$0x3FA2] =	sst s9;
	s0 =	simm.s32 @!p0 $0x0  }
0x12: {  	s1 =	sld [smem:$0x3F88];
	s0 =	simm.s32 @p0 $0x1  }
0x13: {  	[smem:$0x3FA3] =	sst s0;
	s0 =	simm.s32 @!p1 $0x0  }
0x14: {  	s2 =	sld [smem:$0x3F87];
	s0 =	simm.s32 @p1 $0x1  }
0x15: {  	[smem:$0x3FA4] =	sst s0;
	s0 =	simm.s32 @!p2 $0x0  }
0x16: {  	s3 =	sld [smem:$0x3FDB];
	s0 =	simm.s32 @p2 $0x1  }
0x17: {  	s4 =	simm.s32 $0x1BF5;
	[smem:$0x3FA6] =	sst s0  }
0x18: {  	s0 =	sld [smem:$0x3F89];
	_ =	swait.ge [sflag:s4], $0x0  }
0x19: {  	s7 =	sld [smem:$0x3F8A]  }
0x1a: {  	s8 =	sadd.s32 $0xFFFFE003, lr  }
0x1b: {  	s9 =	sadd.s32 $0xFFFFFEF7, lr;
	s5 =	simm.s32 $0xFFFFFFFF;
	p2 =	slt.u32 s8, $0xFFFFF086  }
0x1c: {  	p1 =	slt.u32 s9, $0xF7A;
	s5 =	simm.s32 @!p2 $0x0  }
0x1d: {  	s5 =	simm.s32 @p1 $0x1;
	p0 =	seq.s32 s7, s2  }
0x1e: {  	s7 =	smul.u32 @!p0 $0xF7A, s2;
	p2 =	seq.s32 @!p0 s5, $0x0  }
0x1f: {  	s9 =	smul.u32 $0xF7A, s1;
	s8 =	simm.s32 @!p0 $0x1BF5;
	p2 =	por !p2, p0  }
0x20: {  	[sflag:s8] =	ssyncset.s32 @!p0 $0xFFFFF086;
	s6 =	sadd.s32 @!p0 s3, s7;
	s7 =	simm.s32 @!p0 $0x108  }
0x21: {  	s3 =	sadd.s32 s3, s9;
	s6 =	sadd.s32 @!p0 $0x88, s6;
	s7 =	simm.s32 @p2 $0x1082  }
0x22: {  	[simem:s7], [sflag:s8] =	dma.local @!p0 [hbm:s6], $0xF7A  }
0x23: {  	s9 =	sor.u32 $0xD0000000, s2;
	s6 =	simm.s32 $0x108;
	_ =	swait.ge @!p0 [sflag:s8], $0x0  }
0x24: {  	s3 =	sadd.s32 $0x88, s3;
	s6 =	simm.s32 @!p1 $0x1082;
	[sflag:s4] =	ssyncset.s32 $0xFFFFF086  }
0x25: {  	[simem:s6], [sflag:s4] =	dma.local [hbm:s3], $0xF7A  }
0x26: {  	[smem:$0x3F8A] =	sst s1;
	(tag) =	ssettag s2;
	_ =	strace s9  }
0x27: {  	s1 =	sld [smem:$0x3F9A]  }
0x28: {  	s2 =	sld [smem:$0x3F9B]  }
0x29: {  	s4 =	sld [smem:$0x3F9D]  }
0x2a: {  	p0 =	seq.s32 s5, $0x0;
	s5 =	sld [smem:$0x3F9E]  }
0x2b: {  	s6 =	sld [smem:$0x3F9F]  }
0x2c: {  	s7 =	sld [smem:$0x3FA0]  }
0x2d: {  	s3 =	simm.s32 $0x108;
	s8 =	sld [smem:$0x3FA1]  }
0x2e: {  	s3 =	simm.s32 @!p0 $0x1082;
	s9 =	sld [smem:$0x3FA2]  }
0x2f: {  	lr =	sadd.s32 s0, s3;
	s0 =	sld [smem:$0x3F99]  }
0x30: {  	s3 =	sld [smem:$0x3F9C]  }
0x31: {  	[smem:$0x3FA5] =	sst s10  }
0x32: {  	s10 =	sld [smem:$0x3FA3];
	_ =	sdelay $0x3  }
0x33: {  	p0 =	seq.s32 s10, $0x1;
	s10 =	sld [smem:$0x3FA5];
	_ =	sdelay $0x3  }
0x34: {  	[smem:$0x3FA5] =	sst s10  }
0x35: {  	s10 =	sld [smem:$0x3FA4];
	_ =	sdelay $0x3  }
0x36: {  	p1 =	seq.s32 s10, $0x1;
	s10 =	sld [smem:$0x3FA5];
	_ =	sdelay $0x3  }
0x37: {  	[smem:$0x3FA5] =	sst s10  }
0x38: {  	s10 =	sld [smem:$0x3FA6]  }
0x39: {  	_ = 	snop;
	(pc) =	sbr.ind lr, $3  }
0x3a: {  	_ = 	snop  }
0x3b: {  	_ = 	snop  }
0x3c: {  	p2 =	seq.s32 s10, $0x1;
	s10 =	sld [smem:$0x3FA5]  }
0x3d: {  	_ =	shalt  }
0x3e: {  	_ =	shalt  }
0x3f: {  	_ =	shalt  }
0x40: {  	_ =	shalt  }
0x41: {  	_ =	shalt  }
0x42: {  	_ =	shalt  }
0x43: {  	_ =	shalt  }
0x44: {  	_ =	shalt  }
0x45: {  	_ =	shalt  }
0x46: {  	_ =	shalt  }
0x47: {  	_ =	shalt  }
0x48: {  	_ =	shalt  }
0x49: {  	_ =	shalt  }
0x4a: {  	_ =	shalt  }
0x4b: {  	_ =	shalt  }
0x4c: {  	_ =	shalt  }
0x4d: {  	_ =	shalt  }
0x4e: {  	_ =	shalt  }
0x4f: {  	_ =	shalt  }
0x50: {  	_ =	shalt  }
0x51: {  	_ =	shalt  }
0x52: {  	_ =	shalt  }
0x53: {  	_ =	shalt  }
0x54: {  	_ =	shalt  }
0x55: {  	_ =	shalt  }
0x56: {  	_ =	shalt  }
0x57: {  	_ =	shalt  }
0x58: {  	_ =	shalt  }
0x59: {  	_ =	shalt  }
0x5a: {  	_ =	shalt  }
0x5b: {  	_ =	shalt  }
0x5c: {  	_ =	shalt  }
0x5d: {  	_ =	shalt  }
0x5e: {  	_ =	shalt  }
0x5f: {  	_ =	shalt  }
0x60: {  	_ =	shalt  }
0x61: {  	_ =	shalt  }
0x62: {  	_ =	shalt  }
0x63: {  	_ =	shalt  }
0x64: {  	_ =	shalt  }
0x65: {  	_ =	shalt  }
0x66: {  	_ =	shalt  }
0x67: {  	_ =	shalt  }
0x68: {  	_ =	shalt  }
0x69: {  	_ =	shalt  }
0x6a: {  	_ =	shalt  }
0x6b: {  	_ =	shalt  }
0x6c: {  	_ =	shalt  }
0x6d: {  	_ =	shalt  }
0x6e: {  	_ =	shalt  }
0x6f: {  	_ =	shalt  }
0x70: {  	_ =	shalt  }
0x71: {  	_ =	shalt  }
0x72: {  	_ =	shalt  }
0x73: {  	_ =	shalt  }
0x74: {  	_ =	shalt  }
0x75: {  	_ =	shalt  }
0x76: {  	_ =	shalt  }
0x77: {  	_ =	shalt  }
0x78: {  	_ =	shalt  }
0x79: {  	_ =	shalt  }
0x7a: {  	_ =	shalt  }
0x7b: {  	_ =	shalt  }
0x7c: {  	_ =	shalt  }
0x7d: {  	_ =	shalt  }
0x7e: {  	_ =	shalt  }
0x7f: {  	_ =	shalt  }
0x80: {  	_ =	shalt  }
0x81: {  	_ =	shalt  }
0x82: {  	_ =	shalt  }
0x83: {  	_ =	shalt  }
0x84: {  	_ =	shalt  }
0x85: {  	_ =	shalt  }
0x86: {  	_ =	shalt  }
0x87: {  	_ =	shalt  }
.Lfunc_end0:
.L_simem_size_0:
called_computation.1_lowered:
.L_overlay_start_0:
0x88: {  	s2 =	sld [smem:$0x3FD9]  }
0x89: {  	s3 =	sld [smem:$0x3FFE];
	_ =	sdelay $0x1  }
0x8a: {  	s1 =	srdreg.scid  }
0x8b: {  	s0 =	sand.u32 $0x1, s1  }
0x8c: {  	s16 =	sshll.u32 s0, $0xA;
	s2 =	sadd.s32 s3, s2  }
0x8d: {  	s2 =	sadd.s32 s2, s16  }
0x8e: {  	[smem:$0x3FB1] =	sst s2  }
0x8f: {  	_ = 	snop  }
0x90: {  	(tm) =	ssettm $0x1  }
0x91: {  	s17 =	sld [smem:$0x3FFB];
	_ =	sdelay $0x3  }
0x92: {  	_ =	strace s17  }
0x93: {  	s2 =	sld [smem:$0x3FFC];
	_ =	sdelay $0x3  }
0x94: {  	_ =	strace s2  }
0x95: {  	s2 =	sld [smem:$0x3FFD];
	_ =	sdelay $0x3  }
0x96: {  	_ =	strace s2  }
0x97: {  	_ =	strace $0x8FFFFFFF  }
0x98: {  	s18 =	sld [smem:$0x3FDB];
	_ =	sdelay $0x1  }
0x99: {  	s19 =	simm.s32 $_scs_section_size  }
0x9a: {  	s4 =	simm.s32 $_size__tile_overlayer_lowered;
	s5 =	simm.s32 $_tile_overlayer_lowered  }
0x9b: {  	s22 =	simm.s32 $0x1BFF;
	s21 =	sshll.u32 s5, $0x1;
	s2 =	sadd.s32 s19, s18  }
0x9c: {  	s6 =	simm.s32 $0x0;
	s20 =	sshll.u32 s4, $0x1;
	s4 =	sadd.s32 s21, s2  }
0x9d: {  	[timem:s6], [sflag:s22] =	dma.local [hbm:s4], s20  }
0x9e: {  	_ =	swait.ge [sflag:s22], s20  }
0x9f: {  	s3 =	ssub.s32 $0x0, s20;
	[sflag:s22] =	ssyncset.done $0x0  }
0xa0: {  	[sflag:s22] =	ssyncadd.s32 s3;
	_ =	sdelay $0x1  }
0xa1: {  	s23 =	simm.s32 $0x1B8B  }
0xa2: {  	_ =	swait.ge [sflag:s23], $0x1  }
0xa3: {  	[sflag:s23] =	ssyncset.done $0x0  }
0xa4: {  	s25 =	simm.s32 $0x1B8E;
	s24 =	sld [smem:$0x3FFE];
	[sflag:s23] =	ssyncadd.s32 $0xFFFFFFFF  }
0xa5: {  	s26 =	simm.s32 $execute0_lowered;
	[smem:$0x3FD2] =	sst s25  }
0xa6: {  	s4 =	sshll.u32 s26, $0x1;
	_ =	strace $0x80000046;
	[dreg:$0x1] =	wrdreg $0xFFFFFFFF  }
0xa7: {  	s28 =	simm.s32 $_size_execute0_lowered;
	s2 =	sadd.s32 s2, s4;
	[dreg:$0x0] =	wrdreg $0x0  }
0xa8: {  	s4 =	sshll.u32 s28, $0x1;
	[dreg:$0x2] =	wrdreg s2  }
0xa9: {  	[dreg:$0x3] =	wrdreg s4  }
0xaa: {  	[dreg:$0x4] =	wrdreg $0xC0  }
0xab: {  	_ =	task [dreg:s6], $0x5FFFF  }
0xac: {  	[dreg:$0x1] =	wrdreg $0xFFFFFFFF  }
0xad: {  	[dreg:$0x0] =	wrdreg $0x60  }
0xae: {  	[dreg:$0x2] =	wrdreg s24  }
0xaf: {  	[dreg:$0x3] =	wrdreg $0x9  }
0xb0: {  	_ =	task.clear_ibuf [dreg:s6], $0x4FFFF;
	_ =	strace $0x90000046  }
0xb1: {  	s29 =	simm.s32 $0x9;
	_ =	strace $0x80000048  }
0xb2: {  	_ =	swait.ge [sflag:s29], $0x1  }
0xb3: {  	[sflag:s29] =	ssyncadd.s32 $0xFFFFFFFF  }
0xb4: {  	_ =	strace $0x90000048  }
0xb5: {  	_ =	sfence  }
0xb6: {  	s30 =	sld [smem:$0x0];
	_ =	sdelay $0x2  }
0xb7: {  	s31 =	sshll.u32 s1, $0xD;
	s1 =	sshrl.u32 s1, $0x2  }
0xb8: {  	s3 =	sand.u32 $0x4000, s31;
	s1 =	sadd.s32 s1, s30  }
0xb9: {  	s0 =	sor.u32 s3, s0;
	s1 =	sshll.u32 s1, $0x11  }
0xba: {  	s0 =	sor.u32 s1, s0  }
0xbb: {  	s0 =	sadd.s32 $0x8F2B, s0  }
0xbc: {  	[sflag:s0] =	ssyncadd.remote.s32 $0x1  }
0xbd: {  	_ =	sfence.sel $0xFFFF  }
0xbe: {  	[dreg:$0x0] =	wrdreg $0xFFFFFFFF;
	(pc) =	sbr.abs _section_cstart, $3  }
0xbf: {  	[dreg:$0x1] =	wrdreg $0xFFFFFFFF  }
0xc0: {  	_ =	task.clear_ibuf [dreg:s6], $0x2FFFF;
	_ =	strace $0x9FFFFFFF  }
0xc1: {  	(tm) =	ssettm $0x7FFFFFFF  }
tec
execute0_lowered:
.L_overlay_start_1:
0x0: {  	(tag) =	ssettag $0x1  }
0x1: {  	s0 =	rddreg [dreg:$0x0];
	s2 =	simm.s32 $0x0  }
0x2: {  	s1 =	srdreg.scid;
	s3 =	stileid.u32;
	s15 =	simm.s32 $0x5  }
0x3: {  	s16 =	simm.s32 $0xC8;
	s19 =	simm.s32 $0x4C90;
	s20 =	simm.s32 $0x4D58  }
0x4: {  	s21 =	simm.s32 $0x4E20;
	s22 =	simm.s32 $0x6720;
	s23 =	simm.s32 $0x1  }
0x5: {  	s24 =	simm.s32 $0x3390;
	s28 =	simm.s32 $0x2;
	s29 =	simm.s32 $0x4  }
0x6: {  	s30 =	simm.s32 $0x0;
	[smem:$0x7FF] =	sst s2;
	s1 =	sand.u32 $0x1, s1  }
0x7: {  	s5 =	sshll.u32 s3, $0x1;
	s3 =	sadd.s32 $0xDBC00, s0;
	s4 =	sadd.s32 $0x7A000, s0  }
0x8: {  	s7 =	sadd.s32 $0x18400, s0;
	s8 =	sadd.s32 $0x13D800, s0;
	s6 =	sor.u32 s1, s5  }
0x9: {  	_ =	strace $0x80000047;
	s1 =	ssub.s32 $0x2, s1;
	s6 =	smul.u32 $0xC350, s6  }
.Ltmp0:
0xa: {  	s5 =	sadd.s32 $0x49200, s0;
	s25 =	sshrl.u32 s1, $0x1;
	(pc) =	sbr.rel .LBB2_1-.Ltmp0, $4  }
0xb: {  	s0 =	ssub.s32 s1, s25;
	s25 =	simm.s32 $0x3;
	s26 =	sshrl.u32 s6, $0x3  }
0xc: {  	s9 =	sadd.s32 $0xC8, s6;
	s14 =	smax.u32 s0, $0x1;
	s10 =	sadd.s32 s5, s26  }
0xd: {  	s11 =	sadd.s32 s7, s26;
	s31 =	sshrl.u32 s9, $0x3;
	s26 =	simm.s32 $0x8020  }
0xe: {  	[dreg:$0x2] =	wrdreg s10;
	s12 =	sadd.s32 s5, s31;
	s13 =	sadd.s32 s7, s31  }
.LBB2_8:
0xf: {  	s30 =	sadd.s32 $0x1, s30  }
0x10: {  	_ =	swait.ge [sflag:s28], $0x1900;
	p0 =	sne.s32 s30, s14  }
.Ltmp1:
0x11: {  	[sflag:s28] =	ssyncset.done $0x0;
	(pc) =	sbr.rel @!p0 .LBB2_9-.Ltmp1, $4  }
0x12: {  	[sflag:s28] =	ssyncadd.s32 $0xFFFFE700  }
0x13: {  	_ =	swait.ge [sflag:s29], $0x1900  }
0x14: {  	[sflag:s29] =	ssyncset.done $0x0  }
0x15: {  	[sflag:s29] =	ssyncadd.s32 $0xFFFFE700  }
.LBB2_1:
0x16: {  	s0 =	rddreg [dreg:$0x2]  }
0x17: {  	[tilespmem:s2], [sflag:$0x5] =	stream.linear.gather [hbm4b:s0+s2], $0xC8, $0x38;
	[tilespmem:$0x9920] =	vst v63  }
0x18: {  	_ =	swait.ge [sflag:s15], $0xC8  }
0x19: {  	[sflag:s15] =	ssyncset.done $0x0  }
0x1a: {  	[sflag:s15] =	ssyncadd.s32 $0xFFFFFF38  }
0x1b: {  	[tilespmem:s16], [sflag:$0x5] =	stream.linear.gather [hbm4b:s11+s2], $0xC8, $0x38;
	[tilespmem:$0x9920] =	vst v63  }
0x1c: {  	_ =	swait.ge [sflag:s15], $0xC8  }
0x1d: {  	[sflag:s15] =	ssyncset.done $0x0  }
0x1e: {  	s17 =	simm.s32 $0x190;
	[sflag:s15] =	ssyncadd.s32 $0xFFFFFF38  }
0x1f: {  	[tilespmem:s17], [sflag:$0x1] =	stream.indirect.gather [hbm4b:s3+s16], $0x20, s2, s16, $0xb8;
	[tilespmem:$0x9920] =	vst v63  }
0x20: {  	s18 =	simm.s32 $0x1A90  }
0x21: {  	[tilespmem:s18], [sflag:$0x1] =	stream.indirect.gather [hbm4b:s4+s16], $0x20, s16, s16, $0xb8;
	[tilespmem:$0x9920] =	vst v63  }
0x22: {  	_ = 	snop  }
0x23: {  	[tilespmem:s19], [sflag:$0x5] =	stream.linear.gather [hbm4b:s12+s2], $0xC8, $0x38;
	[tilespmem:$0x9920] =	vst v63  }
0x24: {  	_ =	swait.ge [sflag:s15], $0xC8  }
0x25: {  	[sflag:s15] =	ssyncset.done $0x0  }
0x26: {  	[sflag:s15] =	ssyncadd.s32 $0xFFFFFF38  }
0x27: {  	[tilespmem:s20], [sflag:$0x5] =	stream.linear.gather [hbm4b:s13+s2], $0xC8, $0x38;
	[tilespmem:$0x9920] =	vst v63  }
0x28: {  	_ =	swait.ge [sflag:s15], $0xC8  }
0x29: {  	[sflag:s15] =	ssyncset.done $0x0  }
0x2a: {  	[sflag:s15] =	ssyncadd.s32 $0xFFFFFF38  }
0x2b: {  	[tilespmem:s21], [sflag:$0x3] =	stream.indirect.gather [hbm4b:s3+s16], $0x20, s19, s16, $0xb8;
	[tilespmem:$0x9920] =	vst v63  }
0x2c: {  	s31 =	simm.s32 $0x0  }
0x2d: {  	[tilespmem:s22], [sflag:$0x3] =	stream.indirect.gather [hbm4b:s4+s16], $0x20, s20, s16, $0xb8;
	[tilespmem:$0x9920] =	vst v63  }
.LBB2_2:
0x2e: {  	_ =	swait.ge [sflag:s23], $0x1900  }
0x2f: {  	[sflag:s23] =	ssyncset.done $0x0  }
0x30: {  	[sflag:s23] =	ssyncadd.s32 $0xFFFFE700  }
0x31: {  	_ =	swait.ge [sflag:s23], $0x1900  }
0x32: {  	p0 =	seq.s32 s31, $0x0;
	[sflag:s23] =	ssyncset.done $0x0  }
0x33: {  	s0 =	simm.s32 @!p0 $0x2;
	[sflag:s23] =	ssyncadd.s32 $0xFFFFE700  }
0x34: {  	_ =	swait.ge @!p0 [sflag:s0], $0x1900  }
0x35: {  	[sflag:s0] =	ssyncset.done @!p0 $0x0  }
0x36: {  	s1 =	simm.s32 $0x0;
	[sflag:s0] =	ssyncadd.s32 @!p0 $0xFFFFE700  }
0x37: {  	v0 =	vld [tilespmem:s1+$0x1A0]  }
0x38: {  	v2 =	vld [tilespmem:s1+$0x1AA0]  }
0x39: {  	s0 =	smul.u32 $0x190, s31;
	v1 =	vld [tilespmem:s1+$0x190]  }
0x3a: {  	v3 =	vld [tilespmem:s1+$0x1A90]  }
0x3b: {  	s18 =	simm.s32 $0x80;
	s17 =	sadd.s32 s6, s0  }
.LBB2_3:
0x3c: {  	s10 =	sshra.s32 s18, $0x2;
	p1 =	sne.s32 s18, $0x6380  }
.Ltmp2:
0x3d: {  	s18 =	sadd.s32 $0x80, s18;
	v4 =	vadd.f32 v2, v0;
	v0 =	vld [tilespmem:s10+$0x1A0];
	(pc) =	sbr.rel @p1 .LBB2_3-.Ltmp2, $4  }
0x3e: {  	v2 =	vld [tilespmem:s10+$0x1AA0]  }
0x3f: {  	v5 =	vadd.f32 v3, v1;
	v1 =	vld [tilespmem:s10+$0x190];
	[tilespmem:s1+$0x33A0] =	vst v4  }
0x40: {  	v3 =	vld [tilespmem:s10+$0x1A90]  }
0x41: {  	[tilespmem:s1+$0x3390] =	vst v5;
	s1 =	smov.u32 s10  }
0x42: {  	_ =	sdelay $0x1  }
0x43: {  	v0 =	vadd.f32 v2, v0  }
0x44: {  	v1 =	vadd.f32 v3, v1  }
0x45: {  	s10 =	sshll.u32 s17, $0x2;
	p1 =	seq.s32 s31, $0x7C;
	[tilespmem:s1+$0x33A0] =	vst v0  }
0x46: {  	s18 =	sadd.s32 s8, s10;
	[tilespmem:s1+$0x3390] =	vst v1;
	s1 =	sshrl.u32 @!p1 s17, $0x3  }
0x47: {  	[hbm4b:s18+s2] =	stream.linear.scatter [tilespmem:s24], [sflag:$0x2], $0x1900, $0x38;
	[tilespmem:$0x9920] =	vst v63  }
0x48: {  	s1 =	sadd.s32 @!p1 $0x32, s1  }
0x49: {  	s17 =	simm.s32 @!p1 $0x0;
	s10 =	sadd.s32 @!p1 s5, s1  }
0x4a: {  	[tilespmem:s17], [sflag:$0x5] =	stream.linear.gather @!p1 [hbm4b:s10+s17], $0xC8, $0x38;
	[tilespmem:$0x9920] =	vst v63  }
0x4b: {  	s10 =	simm.s32 @!p1 $0x5  }
0x4c: {  	_ =	swait.ge @!p1 [sflag:s10], $0xC8  }
0x4d: {  	[sflag:s10] =	ssyncset.done @!p1 $0x0  }
0x4e: {  	s18 =	simm.s32 @!p1 $0xC8;
	s1 =	sadd.s32 @!p1 s7, s1;
	[sflag:s10] =	ssyncadd.s32 @!p1 $0xFFFFFF38  }
0x4f: {  	[tilespmem:s18], [sflag:$0x5] =	stream.linear.gather @!p1 [hbm4b:s1+s17], $0xC8, $0x38;
	[tilespmem:$0x9920] =	vst v63  }
0x50: {  	_ =	swait.ge @!p1 [sflag:s10], $0xC8  }
0x51: {  	[sflag:s10] =	ssyncset.done @!p1 $0x0  }
0x52: {  	s1 =	simm.s32 @!p1 $0x190;
	[sflag:s10] =	ssyncadd.s32 @!p1 $0xFFFFFF38  }
0x53: {  	[tilespmem:s1], [sflag:$0x1] =	stream.indirect.gather @!p1 [hbm4b:s3+s18], $0x20, s17, s18, $0xb8;
	[tilespmem:$0x9920] =	vst v63  }
0x54: {  	s1 =	simm.s32 @!p1 $0x1A90  }
0x55: {  	[tilespmem:s1], [sflag:$0x1] =	stream.indirect.gather @!p1 [hbm4b:s4+s18], $0x20, s18, s18, $0xb8;
	[tilespmem:$0x9920] =	vst v63  }
0x56: {  	_ =	swait.ge [sflag:s25], $0x1900  }
0x57: {  	[sflag:s25] =	ssyncset.done $0x0  }
0x58: {  	[sflag:s25] =	ssyncadd.s32 $0xFFFFE700  }
0x59: {  	_ =	swait.ge [sflag:s25], $0x1900  }
0x5a: {  	[sflag:s25] =	ssyncset.done $0x0  }
0x5b: {  	s1 =	simm.s32 @!p0 $0x4;
	[sflag:s25] =	ssyncadd.s32 $0xFFFFE700  }
0x5c: {  	_ =	swait.ge @!p0 [sflag:s1], $0x1900  }
0x5d: {  	[sflag:s1] =	ssyncset.done @!p0 $0x0  }
0x5e: {  	[sflag:s1] =	ssyncadd.s32 @!p0 $0xFFFFE700;
	s1 =	simm.s32 $0x0  }
0x5f: {  	v0 =	vld [tilespmem:s1+$0x4E30]  }
0x60: {  	v2 =	vld [tilespmem:s1+$0x6730]  }
0x61: {  	v1 =	vld [tilespmem:s1+$0x4E20]  }
0x62: {  	v3 =	vld [tilespmem:s1+$0x6720]  }
0x63: {  	s0 =	sadd.s32 s0, s9;
	s17 =	simm.s32 $0x80  }
.LBB2_5:
0x64: {  	s10 =	sshra.s32 s17, $0x2;
	p0 =	sne.s32 s17, $0x6380  }
.Ltmp3:
0x65: {  	s17 =	sadd.s32 $0x80, s17;
	v4 =	vadd.f32 v2, v0;
	v0 =	vld [tilespmem:s10+$0x4E30];
	(pc) =	sbr.rel @p0 .LBB2_5-.Ltmp3, $4  }
0x66: {  	v2 =	vld [tilespmem:s10+$0x6730]  }
0x67: {  	v5 =	vadd.f32 v3, v1;
	v1 =	vld [tilespmem:s10+$0x4E20];
	[tilespmem:s1+$0x8030] =	vst v4  }
0x68: {  	v3 =	vld [tilespmem:s10+$0x6720]  }
0x69: {  	[tilespmem:s1+$0x8020] =	vst v5;
	s1 =	smov.u32 s10  }
0x6a: {  	_ =	sdelay $0x1  }
.Ltmp4:
0x6b: {  	v0 =	vadd.f32 v2, v0;
	(pc) =	sbr.rel @p1 .LBB2_8-.Ltmp4, $4  }
0x6c: {  	s10 =	sshll.u32 s0, $0x2;
	v1 =	vadd.f32 v3, v1  }
0x6d: {  	s10 =	sand.u32 $0x1FFFFFE0, s10;
	[tilespmem:s1+$0x8030] =	vst v0  }
0x6e: {  	s18 =	sadd.s32 s8, s10;
	[tilespmem:s1+$0x8020] =	vst v1  }
0x6f: {  	[hbm4b:s18+s2] =	stream.linear.scatter [tilespmem:s26], [sflag:$0x4], $0x1900, $0x38;
	[tilespmem:$0x9920] =	vst v63  }
0x70: {  	s0 =	sshrl.u32 s0, $0x3  }
0x71: {  	s0 =	sadd.s32 $0x32, s0  }
0x72: {  	s1 =	sadd.s32 s5, s0  }
0x73: {  	[tilespmem:s19], [sflag:$0x5] =	stream.linear.gather [hbm4b:s1+s2], $0xC8, $0x38;
	[tilespmem:$0x9920] =	vst v63  }
0x74: {  	_ =	swait.ge [sflag:s15], $0xC8  }
0x75: {  	[sflag:s15] =	ssyncset.done $0x0  }
0x76: {  	s0 =	sadd.s32 s7, s0;
	[sflag:s15] =	ssyncadd.s32 $0xFFFFFF38  }
0x77: {  	[tilespmem:s20], [sflag:$0x5] =	stream.linear.gather [hbm4b:s0+s2], $0xC8, $0x38;
	[tilespmem:$0x9920] =	vst v63  }
0x78: {  	_ =	swait.ge [sflag:s15], $0xC8  }
.Ltmp5:
0x79: {  	[sflag:s15] =	ssyncset.done $0x0;
	(pc) =	sbr.rel .LBB2_2-.Ltmp5, $4  }
0x7a: {  	[sflag:s15] =	ssyncadd.s32 $0xFFFFFF38  }
0x7b: {  	[tilespmem:s21], [sflag:$0x3] =	stream.indirect.gather [hbm4b:s3+s16], $0x20, s19, s16, $0xb8;
	[tilespmem:$0x9920] =	vst v63  }
0x7c: {  	s31 =	sadd.s32 $0x1, s31  }
0x7d: {  	[tilespmem:s22], [sflag:$0x3] =	stream.indirect.gather [hbm4b:s4+s16], $0x20, s20, s16, $0xb8;
	[tilespmem:$0x9920] =	vst v63  }
.LBB2_9:
0x7e: {  	_ =	sfence.sel $0x180000  }
0x7f: {  	[bflag:$0x0] =	sbarrier.arrive $0xFFFF  }
0x80: {  	_ =	strace $0x90000047  }
0x81: {  	s0 =	stileid.u32;
	[bflag:$0x2] =	sbarrier.arrive $0xFFFF  }
0x82: {  	p0 =	sne.s32 s0, $0x0;
	s0 =	rddreg [dreg:$0x1]  }
0x83: {  	s0 =	sadd.s32 @!p0 $0x100000, s0  }
0x84: {  	[sflag:s0] =	ssyncadd.tile.s32 @!p0 $0x1;
	_ =	shalt  }
.Lfunc_end2:
_tile_overlayer_lowered:
.L_overlay_start_2:
0x85: {  	(tag) =	ssettag $0x2  }
0x86: {  	s0 =	rddreg [dreg:$0x0];
	s2 =	stileid.u32  }
0x87: {  	s1 =	rddreg [dreg:$0x1];
	p0 =	sne.s32 s2, $0x0  }
0x88: {  	s3 =	rddreg [dreg:$0x2];
	[bflag:$0x3] =	sbarrier.arrive $0xFFFF;
	s2 =	simm.s32 @!p0 $0x1C05  }
0x89: {  	[timem:s3], [sflag:s2] =	dma.local @!p0 [hbm:s0], s1  }
0x8a: {  	s0 =	simm.s32 @!p0 $0x5  }
0x8b: {  	_ =	swait.ge @!p0 [sflag:s0], s1  }
0x8c: {  	s1 =	ssub.s32 @!p0 $0x0, s1;
	[sflag:s0] =	ssyncset.done @!p0 $0x0  }
0x8d: {  	[sflag:s0] =	ssyncadd.s32 @!p0 s1  }
0x8e: {  	[bflag:$0x3] =	sbarrier.arrive $0xFFFF  }
0x8f: {  	_ =	shalt  }

// kernel: sparse-core-data-format-call.cloned.1.call-start
scs
called_computation_lowered:
.L_overlay_start_0:
0x0: {  	s2 =	sld [smem:$0x3FD9]  }
0x1: {  	s3 =	sld [smem:$0x3FFE];
	_ =	sdelay $0x1  }
0x2: {  	s1 =	srdreg.scid  }
0x3: {  	s0 =	sand.u32 $0x1, s1  }
0x4: {  	s16 =	sshll.u32 s0, $0xA;
	s2 =	sadd.s32 s3, s2  }
0x5: {  	s2 =	sadd.s32 s2, s16  }
0x6: {  	[smem:$0x3FB1] =	sst s2  }
0x7: {  	_ = 	snop  }
0x8: {  	s2 =	sld [smem:$0x3FD0];
	_ =	sdelay $0x2  }
0x9: {  	s17 =	simm.s32 $0xB;
	s4 =	simm.s32 $0x10  }
0xa: {  	[smem:s4], [sflag:s17] =	dma.local [hbm:s2], $0x1  }
0xb: {  	_ =	swait.eq [sflag:s17], $0x1  }
0xc: {  	[sflag:s17] =	ssyncset.done $0x0  }
0xd: {  	[sflag:s17] =	ssyncadd.s32 $0xFFFFFFFF  }
0xe: {  	s18 =	sld [smem:$0x11];
	(tm) =	ssettm $0x1  }
0xf: {  	s19 =	sld [smem:$0x3FFB];
	_ =	sdelay $0x3  }
0x10: {  	_ =	strace s19  }
0x11: {  	s2 =	sld [smem:$0x3FFC];
	_ =	sdelay $0x3  }
0x12: {  	_ =	strace s2  }
0x13: {  	s2 =	sld [smem:$0x3FFD];
	_ =	sdelay $0x3  }
0x14: {  	_ =	strace s2  }
0x15: {  	_ =	strace $0x8FFFFFFF  }
0x16: {  	s20 =	sld [smem:$0x3FDB];
	_ =	sdelay $0x1  }
0x17: {  	s21 =	simm.s32 $_scs_section_size  }
0x18: {  	s5 =	simm.s32 $_size__tile_overlayer_lowered;
	s6 =	simm.s32 $_tile_overlayer_lowered  }
0x19: {  	s7 =	simm.s32 $0x1BFF;
	s22 =	sshll.u32 s6, $0x1;
	s4 =	sadd.s32 s21, s20  }
0x1a: {  	s23 =	simm.s32 $0x0;
	s5 =	sshll.u32 s5, $0x1;
	s6 =	sadd.s32 s22, s4  }
0x1b: {  	[timem:s23], [sflag:s7] =	dma.local [hbm:s6], s5  }
0x1c: {  	_ =	swait.ge [sflag:s7], s5  }
0x1d: {  	s5 =	ssub.s32 $0x0, s5;
	[sflag:s7] =	ssyncset.done $0x0  }
0x1e: {  	[sflag:s7] =	ssyncadd.s32 s5;
	_ =	sdelay $0x1  }
0x1f: {  	s24 =	simm.s32 $0x1B8B  }
0x20: {  	_ =	swait.ge [sflag:s24], $0x1  }
0x21: {  	[sflag:s24] =	ssyncset.done $0x0  }
0x22: {  	[sflag:s24] =	ssyncadd.s32 $0xFFFFFFFF  }
0x23: {  	s5 =	sld [smem:$0x0]  }
0x24: {  	s6 =	sand.u32 $0xFFFFFFFE, s1  }
0x25: {  	p0 =	sne.s32 s1, s6  }
0x26: {  	s6 =	sshll.u32 @p0 s6, $0xE  }
0x27: {  	s6 =	sadd.s32 @p0 $0x11B8D, s6;
	s7 =	sshll.u32 @p0 s5, $0x11  }
0x28: {  	s6 =	sor.u32 @p0 s7, s6  }
0x29: {  	[sflag:s6] =	ssyncadd.remote.s32 @p0 $0x1;
	_ =	sdelay $0x1  }
0x2a: {  	s6 =	simm.s32 @p0 $0x1B8D  }
0x2b: {  	_ =	swait.eq @p0 [sflag:s6], $0x1  }
0x2c: {  	[sflag:s6] =	ssyncadd.s32 @p0 $0xFFFFFFFF  }
0x2d: {  	s7 =	sshll.u32 @!p0 s1, $0xE  }
0x2e: {  	s7 =	sor.u32 @!p0 $0x4000, s7;
	s6 =	simm.s32 @!p0 $0x1B8D  }
0x2f: {  	s5 =	sshll.u32 @!p0 s5, $0x11;
	s7 =	sadd.s32 @!p0 $0x11B8D, s7;
	_ =	swait.eq @!p0 [sflag:s6], $0x1  }
0x30: {  	s5 =	sor.u32 @!p0 s5, s7;
	[sflag:s6] =	ssyncadd.s32 @!p0 $0xFFFFFFFF  }
0x31: {  	s26 =	simm.s32 $0x1B8E;
	s25 =	sld [smem:$0x3FFE];
	[sflag:s5] =	ssyncadd.remote.s32 @!p0 $0x1  }
0x32: {  	s27 =	simm.s32 $execute0_lowered;
	[smem:$0x3FD2] =	sst s26  }
0x33: {  	s6 =	sshll.u32 s27, $0x1;
	_ =	strace $0x8000004C;
	[dreg:$0x1] =	wrdreg $0xFFFFFFFF  }
0x34: {  	s28 =	simm.s32 $_size_execute0_lowered;
	s4 =	sadd.s32 s4, s6;
	[dreg:$0x0] =	wrdreg $0x0  }
0x35: {  	s6 =	sshll.u32 s28, $0x1;
	[dreg:$0x2] =	wrdreg s4  }
0x36: {  	[dreg:$0x3] =	wrdreg s6  }
0x37: {  	[dreg:$0x4] =	wrdreg $0xC0  }
0x38: {  	_ =	task [dreg:s23], $0x5FFFF  }
0x39: {  	[dreg:$0x1] =	wrdreg $0xFFFFFFFF  }
0x3a: {  	[dreg:$0x0] =	wrdreg $0x60  }
0x3b: {  	[dreg:$0x2] =	wrdreg s25  }
0x3c: {  	[dreg:$0x3] =	wrdreg s18  }
0x3d: {  	[dreg:$0x4] =	wrdreg $0x9  }
0x3e: {  	_ =	task.clear_ibuf [dreg:s23], $0x5FFFF;
	_ =	strace $0x9000004C  }
0x3f: {  	s29 =	simm.s32 $0x9;
	_ =	strace $0x8000004E  }
0x40: {  	_ =	swait.ge [sflag:s29], $0x1  }
0x41: {  	[sflag:s29] =	ssyncadd.s32 $0xFFFFFFFF  }
0x42: {  	_ =	strace $0x9000004E  }
0x43: {  	_ =	sfence  }
0x44: {  	s30 =	sld [smem:$0x0];
	_ =	sdelay $0x2  }
0x45: {  	s31 =	sshll.u32 s1, $0xD;
	s1 =	sshrl.u32 s1, $0x2  }
0x46: {  	s4 =	sand.u32 $0x4000, s31;
	s1 =	sadd.s32 s1, s30  }
0x47: {  	s0 =	sor.u32 s4, s0;
	s1 =	sshll.u32 s1, $0x11  }
0x48: {  	s0 =	sor.u32 s1, s0  }
0x49: {  	s0 =	sadd.s32 $0x8F2B, s0  }
0x4a: {  	[sflag:s0] =	ssyncadd.remote.s32 $0x1  }
0x4b: {  	_ =	sfence.sel $0xFFFF  }
0x4c: {  	[dreg:$0x0] =	wrdreg $0xFFFFFFFF;
	(pc) =	sbr.abs _section_cstart, $3  }
0x4d: {  	[dreg:$0x1] =	wrdreg $0xFFFFFFFF  }
0x4e: {  	_ =	task.clear_ibuf [dreg:s23], $0x2FFFF;
	_ =	strace $0x9FFFFFFF  }
0x4f: {  	(tm) =	ssettm $0x7FFFFFFF  }
tec
execute0_lowered:
.L_overlay_start_1:
0x0: {  	(tag) =	ssettag $0x1  }
0x1: {  	s0 =	srdreg.scid  }
0x2: {  	s1 =	sshll.u32 s0, $0x4  }
0x3: {  	s4 =	rddreg [dreg:$0x0];
	s0 =	stileid.u32;
	s1 =	sand.u32 $0x10, s1  }
0x4: {  	s2 =	rddreg [dreg:$0x1];
	s7 =	simm.s32 $0x1;
	s1 =	sor.u32 s0, s1  }
0x5: {  	s8 =	simm.s32 $0x2;
	s11 =	simm.s32 $0x0;
	s3 =	sshll.u32 s1, $0x7  }
0x6: {  	s10 =	simm.s32 $0x0;
	s4 =	sadd.s32 $0x138E400, s4;
	s6 =	ssub.s32 $0x186A00, s3  }
.Ltmp0:
0x7: {  	s1 =	rddreg [dreg:$0x2];
	s5 =	sand.u32 $0xF80, s6;
	(pc) =	sbr.rel .LBB1_1-.Ltmp0, $4  }
0x8: {  	_ =	strace $0x8000004D;
	s9 =	smov.u32 s3;
	p0 =	sne.s32 s5, $0x0  }
0x9: {  	s6 =	sshrl.u32 s6, $0xC;
	s5 =	simm.s32 $0x1;
	s7 =	simm.s32 @!p0 $0x0  }
0xa: {  	[sflag:s5] =	ssyncpa.u1 $0x0;
	p0 =	por $0x0, $0x0;
	s6 =	sadd.s32 s7, s6  }
0xb: {  	[sflag:s8] =	ssyncpa.u1 $0x0;
	s8 =	simm.s32 $0xC35000;
	s7 =	sadd.s32 $0x1, s6  }
.LBB1_4:
0xc: {  	s14 =	sshll.u32 s11, $0x3  }
0xd: {  	s14 =	sand.u32 $0xFFFFFC00, s14  }
0xe: {  	s15 =	sshrl.u32 s14, $0x9  }
0xf: {  	s15 =	smulhi.u32 $0xA7C5AD, s15;
	_ =	sdelay $0x1  }
0x10: {  	s15 =	sshrl.u32 s15, $0x3  }
0x11: {  	s28 =	sand.u32 $0x7F, s11;
	s16 =	smul.u32 $0x186A00, s15  }
0x12: {  	s11 =	sor.u32 s28, s14  }
0x13: {  	s29 =	sand.u32 $0x1F, s15;
	s11 =	ssub.s32 s11, s16  }
0x14: {  	s14 =	smul.u32 $0x30D40, s29;
	s30 =	sshrl.u32 s11, $0x3;
	s11 =	sand.u32 $0x7, s11  }
0x15: {  	s15 =	sadd.s32 s2, s30;
	s11 =	sshll.u32 s11, $0x12  }
0x16: {  	[tilespmem:s13+$0x0 ss:$0x81] =	vst.msk $0xffff, v0;
	s31 =	sadd.s32 s14, s15;
	s11 =	sor.u32 $0x400, s11  }
0x17: {  	[hbm4b:s31+s11] =	stream.strided.scatter [tilespmem:s12], [sflag:$0x2], $0x1000, s8, s11, $0x20;
	[tilespmem:$0x4040] =	vst v63  }
.LBB1_5:
0x18: {  	s13 =	sadd.s32 $0x1000, s9  }
0x19: {  	p2 =	sgt.s32 s13, $0x1869FF  }
0x1a: {  	s13 =	smov.u32 @p2 s3;
	p2 =	sne.s32 s10, s7  }
.Ltmp1:
0x1b: {  	p1 =	slt.u32 s10, $0x2;
	(pc) =	sbr.rel @!p2 .LBB1_6-.Ltmp1, $4  }
0x1c: {  	s12 =	simm.s32 @!p1 $0x2  }
0x1d: {  	s14 =	sadd.s32 $0x1, s10;
	_ =	swait.ge @!p1 [sflag:s12], $0x1000  }
0x1e: {  	s11 =	smov.u32 s9;
	p0 =	por !p0, !p0;
	[sflag:s12] =	ssyncset.done @!p1 $0x0  }
0x1f: {  	s10 =	smov.u32 s14;
	s9 =	smov.u32 s13;
	[sflag:s12] =	ssyncadd.s32 @!p1 $0xFFFFF000  }
.LBB1_1:
0x20: {  	p1 =	sge.u32 s10, s6  }
0x21: {  	s12 =	sand.u32 @!p1 $0x1FFFFFF, s9  }
0x22: {  	s13 =	smulhi.u32 @!p1 $0x14F8B59, s12;
	_ =	sdelay $0x1  }
0x23: {  	s13 =	sshrl.u32 @!p1 s13, $0xD  }
0x24: {  	s13 =	smul.u32 @!p1 $0x186A00, s13;
	_ =	sdelay $0x1  }
0x25: {  	s31 =	sadd.s32 $0xFFFFFFFF, s10;
	s14 =	sxor.u32 @!p1 $0xFFFFFFFF, s10;
	s12 =	ssub.s32 @!p1 s12, s13  }
0x26: {  	s15 =	simm.s32 @!p1 $0x80;
	s14 =	sshll.u32 @!p1 s14, $0xC;
	s12 =	sshll.u32 @!p1 s12, $0x4  }
0x27: {  	s13 =	sand.u32 @!p1 $0x1000, s14;
	s14 =	simm.s32 @!p1 $0x20;
	s12 =	sadd.s32 @!p1 s4, s12  }
0x28: {  	[tilespmem:s13], [sflag:$0x1] =	stream.strided.gather @!p1 [hbm4b:s12+s14], $0x1000, s15, s14, $0x38;
	[tilespmem:$0x4040] =	vst v63  }
0x29: {  	p1 =	sge.u32 s31, s6  }
.Ltmp2:
0x2a: {  	_ = 	snop;
	(pc) =	sbr.rel @p1 .LBB1_5-.Ltmp2, $1  }
0x2b: {  	_ =	sdelay $0x3  }
0x2c: {  	s12 =	simm.s32 $0x1  }
0x2d: {  	_ =	swait.ge [sflag:s5], $0x1000;
	s12 =	simm.s32 @!p0 $0x0  }
0x2e: {  	[sflag:s5] =	ssyncset.done $0x0;
	s13 =	sshll.u32 s12, $0xC  }
0x2f: {  	[sflag:s5] =	ssyncadd.s32 $0xFFFFF000;
	s16 =	sor.u32 $0x10, s13  }
0x30: {  	s12 =	smul.u32 $0x4080, s12;
	v1 =	vld [tilespmem:s16+$0x0]  }
0x31: {  	s30 =	sand.u32 $0x1, s10;
	v0 =	vld [tilespmem:s16+$0xFFFFFFF0]  }
0x32: {  	s13 =	smul.u32 $0x4080, s30;
	s12 =	sshrl.u32 s12, $0x2  }
0x33: {  	s14 =	sor.u32 $0x2000, s12  }
0x34: {  	s31 =	sshrl.u32 s13, $0x2;
	s13 =	sadd.s32 $0x0, s14  }
0x35: {  	s15 =	simm.s32 $0x4;
	s16 =	sadd.s32 $0x20, s16;
	s12 =	sor.u32 $0x2000, s31;
	[tilespmem:s13+$0x810 ss:$0x81] =	vst.msk $0xffff, v1  }
.LBB1_3:
0x36: {  	v1 =	vld [tilespmem:s16+$0x0];
	p1 =	sne.s32 s15, $0x1FC;
	[tilespmem:s13+$0x0 ss:$0x81] =	vst.msk $0xffff, v0;
	s13 =	smov.u32 s15;
	s15 =	sadd.s32 $0x4, s15  }
.Ltmp3:
0x37: {  	v0 =	vld [tilespmem:s16+$0xFFFFFFF0];
	(pc) =	sbr.rel @p1 .LBB1_3-.Ltmp3, $4  }
0x38: {  	_ = 	snop  }
0x39: {  	s13 =	sshra.s32 s13, $0x2  }
0x3a: {  	s13 =	sadd.s32 s13, s14  }
0x3b: {  	s16 =	sadd.s32 $0x20, s16;
	[tilespmem:s13+$0x810 ss:$0x81] =	vst.msk $0xffff, v1  }
.Ltmp4:
0x3c: {  	_ = 	snop;
	(pc) =	sbr.rel .LBB1_4-.Ltmp4, $1  }
0x3d: {  	_ =	sdelay $0x3  }
.LBB1_6:
0x3e: {  	_ =	sfence.sel $0x180000  }
0x3f: {  	s2 =	simm.s32 $0x1;
	[bflag:$0x0] =	sbarrier.arrive $0xFFFF  }
0x40: {  	s31 =	simm.s32 $0x2;
	[sflag:s2] =	ssyncpa.u1 $0x1  }
0x41: {  	[sflag:s31] =	ssyncpa.u1 $0x1  }
0x42: {  	p0 =	sne.s32 s0, $0x0;
	_ =	strace $0x9000004D  }
0x43: {  	s0 =	sadd.s32 @!p0 $0x100000, s1;
	[bflag:$0x2] =	sbarrier.arrive $0xFFFF  }
0x44: {  	[sflag:s0] =	ssyncadd.tile.s32 @!p0 $0x1;
	_ =	shalt  }
.Lfunc_end1:
_tile_overlayer_lowered:
.L_overlay_start_2:
0x45: {  	(tag) =	ssettag $0x2  }
0x46: {  	s0 =	rddreg [dreg:$0x0];
	s2 =	stileid.u32  }
0x47: {  	s1 =	rddreg [dreg:$0x1];
	p0 =	sne.s32 s2, $0x0  }
0x48: {  	s3 =	rddreg [dreg:$0x2];
	[bflag:$0x3] =	sbarrier.arrive $0xFFFF;
	s2 =	simm.s32 @!p0 $0x1C01  }
0x49: {  	[timem:s3], [sflag:s2] =	dma.local @!p0 [hbm:s0], s1  }
0x4a: {  	s0 =	simm.s32 @!p0 $0x1  }
0x4b: {  	_ =	swait.ge @!p0 [sflag:s0], s1  }
0x4c: {  	s1 =	ssub.s32 @!p0 $0x0, s1;
	[sflag:s0] =	ssyncset.done @!p0 $0x0  }
0x4d: {  	[sflag:s0] =	ssyncadd.s32 @!p0 s1  }
0x4e: {  	[bflag:$0x3] =	sbarrier.arrive $0xFFFF  }
0x4f: {  	_ =	shalt  }

</sc_bundles>
